<compile_context>
chip_gen: v7x
topology: tpu7x:2x2x1
jax: 0.10.2.dev20260603
libtpu: 0.0.44.dev20260713+nightly
codegen_flags: <defaults>
</compile_context>

<pallas_src>
import jax
import jax.numpy as jnp
from jax import lax
from jax.experimental import pallas as pl
from jax.experimental.pallas import tpu as pltpu
from jax.experimental.pallas import tpu_sc as plsc

N = 10000
E = 320000
F = 128
R = 8
NC = 2
NS = 16
LANES = 16
FCN = F // LANES
FCPC = FCN // NC
NSLOT = N * R
DUMP = 128
B = 512
G = 128
NG = B // G
EPT = 20480
EPAD = EPT * NS
NBATCH = EPT // B

NBLK = 1000


def _make_sc_agg(with_cnt):
  zb = NSLOT // NS // 2
  wpt = NSLOT // NS
  ngt = EPT // G
  mesh = plsc.VectorSubcoreMesh(
      core_axis_name="c", subcore_axis_name="s",
      num_cores=NC, num_subcores=NS)
  out_type = [jax.ShapeDtypeStruct((FCN, NSLOT, LANES), jnp.float32)]
  if with_cnt:
    out_type.append(jax.ShapeDtypeStruct((NC, NSLOT, LANES), jnp.float32))
    out_type.append(jax.ShapeDtypeStruct((NS * ngt, G), jnp.int32))
    out_type.append(jax.ShapeDtypeStruct((NS * ngt, G), jnp.int32))
  scratch = [
      pltpu.VMEM((B,), jnp.int32),
      pltpu.VMEM((B,), jnp.int32),
      pltpu.VMEM((B,), jnp.int32),
      pltpu.VMEM((ngt, G), jnp.int32),
      pltpu.VMEM((ngt, G), jnp.int32),
      pltpu.VMEM((B, LANES), jnp.float32),
      pltpu.VMEM_SHARED((NSLOT, LANES), jnp.float32),
      pltpu.SemaphoreType.DMA,
      pltpu.SemaphoreType.DMA,
  ]

  def body(*args):
    if with_cnt:
      (xt, srcr, dstr, etr, zsrc, agg, cnt, gidx_out, sidx_out,
       src_v, dst_v, et_v, gbuf, sbuf, rows, acc, sem, sem2) = args
    else:
      (xt, gidx_hbm, sidx_hbm, zsrc, agg,
       src_v, dst_v, et_v, gbuf, sbuf, rows, acc, sem, sem2) = args
      cnt = None
    c = lax.axis_index("c")
    s = lax.axis_index("s")

    def zero_acc():
      base = s * wpt
      pltpu.sync_copy(zsrc, acc.at[pl.ds(base, zb)])
      pltpu.sync_copy(zsrc, acc.at[pl.ds(base + zb, zb)])

    if with_cnt:
      def pre_body(pb, carry):
        ebase = s * EPT + pb * B
        ldescs = [
            pltpu.async_copy(srcr.at[pl.ds(ebase, B)], src_v, sem),
            pltpu.async_copy(dstr.at[pl.ds(ebase, B)], dst_v, sem),
            pltpu.async_copy(etr.at[pl.ds(ebase, B)], et_v, sem),
        ]
        for d in ldescs:
          d.wait()

        def pcb(i, carry3):
          gg = pb * NG + i // (G // LANES)
          col = (i % (G // LANES)) * LANES
          sv = src_v[pl.ds(i * LANES, LANES)]
          dv = dst_v[pl.ds(i * LANES, LANES)]
          ev = et_v[pl.ds(i * LANES, LANES)]
          slot = dv * R + ev
          oob = slot >= NSLOT
          sbuf[gg, pl.ds(col, LANES)] = jnp.where(oob, -1, slot)
          gbuf[gg, pl.ds(col, LANES)] = jnp.where(oob, -1, sv)
          return carry3
        lax.fori_loop(0, B // LANES, pcb, 0)
        return carry
      lax.fori_loop(0, NBATCH, pre_body, 0)

      @pl.when(c == 0)
      def _():
        pltpu.sync_copy(gbuf, gidx_out.at[pl.ds(s * ngt, ngt)])
        pltpu.sync_copy(sbuf, sidx_out.at[pl.ds(s * ngt, ngt)])
    else:
      pltpu.sync_copy(gidx_hbm.at[pl.ds(s * ngt, ngt)], gbuf)
      pltpu.sync_copy(sidx_hbm.at[pl.ds(s * ngt, ngt)], sbuf)

    def chunk_body(cc, carry):
      fc = c * FCPC + cc
      table = xt.at[pl.ds(fc * N, N)]
      plsc.subcore_barrier()
      zero_acc()
      plsc.subcore_barrier()

      def batch_body(b, carry2):
        gbase = b * NG
        descs = [
            pltpu.async_copy(
                table.at[plsc.Indices(gbuf.at[gbase + g], ignored_value=-1)],
                rows.at[pl.ds(g * G, G)], sem)
            for g in range(NG)
        ]
        sdescs = []
        for g in range(NG):
          descs[g].wait()
          sdescs.append(pltpu.async_copy(
              rows.at[pl.ds(g * G, G)],
              acc.at[plsc.Indices(sbuf.at[gbase + g], ignored_value=-1)],
              sem2, add=True))
        for d in sdescs:
          d.wait()
        return carry2
      lax.fori_loop(0, NBATCH, batch_body, 0)

      plsc.subcore_barrier()
      pltpu.sync_copy(acc.at[pl.ds(s * wpt, wpt)],
                      agg.at[fc, pl.ds(s * wpt, wpt)])
      return carry
    lax.fori_loop(0, FCPC, chunk_body, 0)

    if with_cnt:
      plsc.subcore_barrier()
      zero_acc()

      ones = jnp.ones((LANES,), jnp.float32)
      def fill(i, carry2):
        rows[i, :] = ones
        return carry2
      lax.fori_loop(0, G, fill, 0)
      plsc.subcore_barrier()

      def cnt_body(b, carry2):
        gbase = b * NG
        sdescs = [
            pltpu.async_copy(
                rows.at[pl.ds(0, G)],
                acc.at[plsc.Indices(sbuf.at[gbase + g], ignored_value=-1)],
                sem2, add=True)
            for g in range(NG)
        ]
        for d in sdescs:
          d.wait()
        return carry2
      lax.fori_loop(0, NBATCH, cnt_body, 0)

      plsc.subcore_barrier()
      pltpu.sync_copy(acc.at[pl.ds(s * wpt, wpt)],
                      cnt.at[c, pl.ds(s * wpt, wpt)])

  return pl.kernel(body, out_type=tuple(out_type), mesh=mesh,
                   scratch_types=scratch,
                   compiler_params=pltpu.CompilerParams(
                       use_tc_tiling_on_sc=False))


_sc_agg_l1 = _make_sc_agg(True)
_sc_agg_l2 = _make_sc_agg(False)


def _tc_layer(x, agg, cnt, root, wt, bias, relu):

  def tc_body(x_r, agg_r, cnt_r, root_r, wt_r, b_r, o_r):
    acc = jnp.dot(x_r[...], root_r[...], preferred_element_type=jnp.float32)
    acc = acc + b_r[...]
    cs = cnt_r[...]
    scale = 1.0 / jnp.maximum((cs[0] + cs[1]) * 0.5, 1.0)
    ag = agg_r[...]
    for fc in range(FCN):
      acc = acc + jnp.dot(ag[fc] * scale, wt_r[fc],
                          preferred_element_type=jnp.float32)
    if relu:
      acc = jnp.maximum(acc, 0.0)
    o_r[...] = acc

  return pl.pallas_call(
      tc_body,
      grid=(N // NBLK,),
      in_specs=[
          pl.BlockSpec((NBLK, F), lambda j: (j, 0)),
          pl.BlockSpec((FCN, NBLK, F), lambda j: (0, j, 0)),
          pl.BlockSpec((NC, NBLK, F), lambda j: (0, j, 0)),
          pl.BlockSpec((F, F), lambda j: (0, 0)),
          pl.BlockSpec((FCN, F, F), lambda j: (0, 0, 0)),
          pl.BlockSpec((1, F), lambda j: (0, 0)),
      ],
      out_specs=pl.BlockSpec((NBLK, F), lambda j: (j, 0)),
      out_shape=jax.ShapeDtypeStruct((N, F), jnp.float32),
  )(x, agg, cnt, root, wt, bias)


def kernel(x, A, edge_type, W1, root1, b1, W2, root2, b2):
  src = A[0]
  dst = A[1]
  pad = EPAD - E
  k = jnp.arange(pad, dtype=jnp.int32)
  srcp = jnp.concatenate([src, k % N])
  dstp = jnp.concatenate([dst, N + (k % DUMP) // R])
  etp = jnp.concatenate([edge_type, k % R])

  wt1 = W1.reshape(R, FCN, LANES, F).transpose(1, 0, 2, 3).reshape(FCN, F, F)
  wt2 = W2.reshape(R, FCN, LANES, F).transpose(1, 0, 2, 3).reshape(FCN, F, F)

  zeros = jnp.zeros((NSLOT // NS // 2, LANES), jnp.float32)

  xt = x.reshape(N, FCN, LANES).transpose(1, 0, 2).reshape(FCN * N, LANES)
  agg1, cnt, gidxs, sidxs = _sc_agg_l1(xt, srcp, dstp, etp, zeros)
  aggv1 = agg1.reshape(FCN, N, F)
  cntv = cnt.reshape(NC, N, F)
  h = _tc_layer(x, aggv1, cntv, root1, wt1, b1.reshape(1, F), relu=True)

  ht = h.reshape(N, FCN, LANES).transpose(1, 0, 2).reshape(FCN * N, LANES)
  agg2 = _sc_agg_l2(ht, gidxs, sidxs, zeros)
  if isinstance(agg2, (list, tuple)):
    agg2 = agg2[0]
  out = _tc_layer(h, agg2.reshape(FCN, N, F), cntv, root2, wt2,
                  b2.reshape(1, F), relu=False)
  return out

# --- scband reference (transcript-rebuilt; emitter-appended) ---
"""Pipeline reference for scband-rgcnmodel-sparse-78219944394956 (READ-ONLY COPY).

The authoritative reference and input builder live on the scoring server;
editing this copy changes nothing except your own understanding.
"""

import jax, jax.numpy as jnp
import numpy as np

N = 10000
E = 320000
IN = 128
HID = 128
OUT = 128
R = 8


def setup_inputs(seed: int = 0) -> dict:
    key = jax.random.key(seed)
    ks = jax.random.split(key, 8)
    x = jax.random.normal(ks[0], (N, IN), dtype=jnp.float32)
    A = jax.random.randint(ks[1], (2, E), 0, N, dtype=jnp.int32)
    edge_type = jax.random.randint(ks[2], (E,), 0, R, dtype=jnp.int32)
    s1 = 1.0 / np.sqrt(IN)
    s2 = 1.0 / np.sqrt(HID)
    W1 = jax.random.normal(ks[3], (R, IN, HID), dtype=jnp.float32) * s1
    root1 = jax.random.normal(ks[4], (IN, HID), dtype=jnp.float32) * s1
    b1 = jnp.zeros((HID,), dtype=jnp.float32)
    W2 = jax.random.normal(ks[5], (R, HID, OUT), dtype=jnp.float32) * s2
    root2 = jax.random.normal(ks[6], (HID, OUT), dtype=jnp.float32) * s2
    b2 = jnp.zeros((OUT,), dtype=jnp.float32)
    return {"x": x, "A": A, "edge_type": edge_type,
            "W1": W1, "root1": root1, "b1": b1,
            "W2": W2, "root2": root2, "b2": b2}


def _rgcn_conv(x, W, root, bias, src, dst, edge_type, num_nodes, num_relations):
    # PyG-style RGCNConv with per-relation weights, mean aggregation per
    # (dst node, relation), plus root transform and bias.
    out = x @ root + bias
    h = x[src]  # gather source node features, [E, in]
    for r in range(num_relations):
        mask = (edge_type == r).astype(x.dtype)  # [E]
        msg = (h @ W[r]) * mask[:, None]  # [E, out]
        s = jax.ops.segment_sum(msg, dst, num_segments=num_nodes)
        cnt = jax.ops.segment_sum(mask, dst, num_segments=num_nodes)
        out = out + s / jnp.clip(cnt, 1.0)[:, None]
    return out


def reference(x, A, edge_type, W1, root1, b1, W2, root2, b2):
    src = A[0]
    dst = A[1]
    h = _rgcn_conv(x, W1, root1, b1, src, dst, edge_type, N, R)
    h = jax.nn.relu(h)
    out = _rgcn_conv(h, W2, root2, b2, src, dst, edge_type, N, R)
    return out

if __name__ == "__main__":
    import jax
    _d = setup_inputs()
    print(jax.jit(kernel)(*tuple(_d.values())))

</pallas_src>

<mosaic_0001>
#map = affine_map<(d0, d1) -> (0, 0)>
#map1 = affine_map<(d0, d1) -> (0)>
#map2 = affine_map<(d0, d1) -> (0, 0, 0)>
module attributes {stable_mosaic.version = 14 : i64} {
  func.func @body(%arg0: i32, %arg1: i32, %arg2: memref<80000x16xf32, #tpu.memory_space<hbm>>, %arg3: memref<327680xi32, #tpu.memory_space<hbm>>, %arg4: memref<327680xi32, #tpu.memory_space<hbm>>, %arg5: memref<327680xi32, #tpu.memory_space<hbm>>, %arg6: memref<2500x16xf32, #tpu.memory_space<hbm>>, %arg7: memref<8x80000x16xf32, #tpu.memory_space<hbm>>, %arg8: memref<2x80000x16xf32, #tpu.memory_space<hbm>>, %arg9: memref<2560x128xi32, #tpu.memory_space<hbm>>, %arg10: memref<2560x128xi32, #tpu.memory_space<hbm>>, %arg11: memref<512xi32, #tpu.memory_space<vmem>>, %arg12: memref<512xi32, #tpu.memory_space<vmem>>, %arg13: memref<512xi32, #tpu.memory_space<vmem>>, %arg14: memref<160x128xi32, #tpu.memory_space<vmem>>, %arg15: memref<160x128xi32, #tpu.memory_space<vmem>>, %arg16: memref<512x16xf32, #tpu.memory_space<vmem>>, %arg17: memref<80000x16xf32, #tpu.memory_space<vmem_shared>>, %arg18: memref<!tpu.dma_semaphore, #tpu.memory_space<semaphore_mem>>, %arg19: memref<!tpu.dma_semaphore, #tpu.memory_space<semaphore_mem>>) attributes {dimension_semantics = [#tpu.dimension_semantics<core_parallel>, #tpu.dimension_semantics<subcore_parallel>], iteration_bounds = array<i64: 2, 16>, scalar_prefetch = 0 : i64, scratch_operands = 9 : i64, tpu.core_type = #tpu.core_type<sc_vector_subcore>, window_params = [{transform_indices = #map}, {transform_indices = #map1}, {transform_indices = #map1}, {transform_indices = #map1}, {transform_indices = #map}, {transform_indices = #map2}, {transform_indices = #map2}, {transform_indices = #map}, {transform_indices = #map}]} {
    %scan3A = arith.constant 0 : i32
    %scan3A_0 = arith.constant 0 : i32
    %scan3A_1 = arith.constant 40 : i32
    %scan3A_2 = arith.addi %scan3A_0, %scan3A_1 : i32
    %scan3A_3 = arith.constant 1 : i32
    scf.for %scan3A_34 = %scan3A_0 to %scan3A_2 step %scan3A_3  : i32 {
      %mul3A_35 = arith.constant 20480 : i32
      %mul3A_36 = arith.muli %arg1, %mul3A_35 : i32
      %mul3A_37 = arith.constant 512 : i32
      %mul3A_38 = arith.muli %scan3A_34, %mul3A_37 : i32
      %add3A_39 = arith.addi %mul3A_36, %mul3A_38 : i32
      %dma_start3A = tpu.memref_slice %arg3[%add3A_39] : memref<327680xi32, #tpu.memory_space<hbm>> -> memref<512xi32, #tpu.memory_space<hbm>>
      %dma_start3A_40 = tpu.memref_slice %arg3[%add3A_39] : memref<327680xi32, #tpu.memory_space<hbm>> -> memref<512xi32, #tpu.memory_space<hbm>>
      tpu.enqueue_dma source(%dma_start3A_40 : memref<512xi32, #tpu.memory_space<hbm>>) target(%arg11 : memref<512xi32, #tpu.memory_space<vmem>>) target_semaphore(%arg18 : memref<!tpu.dma_semaphore, #tpu.memory_space<semaphore_mem>>)
      %dma_start3A_41 = tpu.memref_slice %arg4[%add3A_39] : memref<327680xi32, #tpu.memory_space<hbm>> -> memref<512xi32, #tpu.memory_space<hbm>>
      %dma_start3A_42 = tpu.memref_slice %arg4[%add3A_39] : memref<327680xi32, #tpu.memory_space<hbm>> -> memref<512xi32, #tpu.memory_space<hbm>>
      tpu.enqueue_dma source(%dma_start3A_42 : memref<512xi32, #tpu.memory_space<hbm>>) target(%arg12 : memref<512xi32, #tpu.memory_space<vmem>>) target_semaphore(%arg18 : memref<!tpu.dma_semaphore, #tpu.memory_space<semaphore_mem>>)
      %dma_start3A_43 = tpu.memref_slice %arg5[%add3A_39] : memref<327680xi32, #tpu.memory_space<hbm>> -> memref<512xi32, #tpu.memory_space<hbm>>
      %dma_start3A_44 = tpu.memref_slice %arg5[%add3A_39] : memref<327680xi32, #tpu.memory_space<hbm>> -> memref<512xi32, #tpu.memory_space<hbm>>
      tpu.enqueue_dma source(%dma_start3A_44 : memref<512xi32, #tpu.memory_space<hbm>>) target(%arg13 : memref<512xi32, #tpu.memory_space<vmem>>) target_semaphore(%arg18 : memref<!tpu.dma_semaphore, #tpu.memory_space<semaphore_mem>>)
      %dma_wait3A = tpu.memref_slice %arg3[%add3A_39] : memref<327680xi32, #tpu.memory_space<hbm>> -> memref<512xi32, #tpu.memory_space<hbm>>
      %dma_wait3A_45 = tpu.memref_slice %arg3[%add3A_39] : memref<327680xi32, #tpu.memory_space<hbm>> -> memref<512xi32, #tpu.memory_space<hbm>>
      tpu.wait_dma2 semaphore(%arg18 : memref<!tpu.dma_semaphore, #tpu.memory_space<semaphore_mem>>) src(%dma_wait3A_45 : memref<512xi32, #tpu.memory_space<hbm>>) dst(%arg11 : memref<512xi32, #tpu.memory_space<vmem>>)
      %dma_wait3A_46 = tpu.memref_slice %arg4[%add3A_39] : memref<327680xi32, #tpu.memory_space<hbm>> -> memref<512xi32, #tpu.memory_space<hbm>>
      %dma_wait3A_47 = tpu.memref_slice %arg4[%add3A_39] : memref<327680xi32, #tpu.memory_space<hbm>> -> memref<512xi32, #tpu.memory_space<hbm>>
      tpu.wait_dma2 semaphore(%arg18 : memref<!tpu.dma_semaphore, #tpu.memory_space<semaphore_mem>>) src(%dma_wait3A_47 : memref<512xi32, #tpu.memory_space<hbm>>) dst(%arg12 : memref<512xi32, #tpu.memory_space<vmem>>)
      %dma_wait3A_48 = tpu.memref_slice %arg5[%add3A_39] : memref<327680xi32, #tpu.memory_space<hbm>> -> memref<512xi32, #tpu.memory_space<hbm>>
      %dma_wait3A_49 = tpu.memref_slice %arg5[%add3A_39] : memref<327680xi32, #tpu.memory_space<hbm>> -> memref<512xi32, #tpu.memory_space<hbm>>
      tpu.wait_dma2 semaphore(%arg18 : memref<!tpu.dma_semaphore, #tpu.memory_space<semaphore_mem>>) src(%dma_wait3A_49 : memref<512xi32, #tpu.memory_space<hbm>>) dst(%arg13 : memref<512xi32, #tpu.memory_space<vmem>>)
      %scan3A_50 = arith.constant 0 : i32
      %scan3A_51 = arith.constant 0 : i32
      %scan3A_52 = arith.constant 32 : i32
      %scan3A_53 = arith.addi %scan3A_51, %scan3A_52 : i32
      %scan3A_54 = arith.constant 1 : i32
      scf.for %scan3A_56 = %scan3A_51 to %scan3A_53 step %scan3A_54  : i32 {
        %mul3A_57 = arith.constant 4 : i32
        %mul3A_58 = arith.muli %scan3A_34, %mul3A_57 : i32
        %jit3A = arith.constant 8 : i32
        %div3A = arith.divsi %scan3A_56, %jit3A : i32
        %sign3A = arith.constant 0 : i32
        %sign3A_59 = arith.cmpi sgt, %scan3A_56, %sign3A : i32
        %sign3A_60 = arith.extui %sign3A_59 : i1 to i32
        %sign3A_61 = arith.constant 0 : i32
        %sign3A_62 = arith.cmpi slt, %scan3A_56, %sign3A_61 : i32
        %sign3A_63 = arith.extui %sign3A_62 : i1 to i32
        %sign3A_64 = arith.subi %sign3A_60, %sign3A_63 : i32
        %sign3A_65 = arith.constant 0 : i32
        %sign3A_66 = arith.cmpi sgt, %jit3A, %sign3A_65 : i32
        %sign3A_67 = arith.extui %sign3A_66 : i1 to i32
        %sign3A_68 = arith.constant 0 : i32
        %sign3A_69 = arith.cmpi slt, %jit3A, %sign3A_68 : i32
        %sign3A_70 = arith.extui %sign3A_69 : i1 to i32
        %sign3A_71 = arith.subi %sign3A_67, %sign3A_70 : i32
        %ne3A = arith.cmpi ne, %sign3A_64, %sign3A_71 : i32
        %rem3A = arith.remsi %scan3A_56, %jit3A : i32
        %ne3A_72 = arith.constant 0 : i32
        %ne3A_73 = arith.cmpi ne, %rem3A, %ne3A_72 : i32
        %and3A = arith.andi %ne3A, %ne3A_73 : i1
        %sub3A = arith.constant 1 : i32
        %sub3A_74 = arith.subi %div3A, %sub3A : i32
        %select_n3A = arith.select %and3A, %sub3A_74, %div3A : i32
        %add3A_75 = arith.addi %mul3A_58, %select_n3A : i32
        %jit3A_76 = arith.constant 8 : i32
        %eq3A_77 = arith.constant 0 : i32
        %eq3A_78 = arith.cmpi eq, %jit3A_76, %eq3A_77 : i32
        %jit3A_79 = arith.constant 1 : i32
        %select_n3A_80 = arith.select %eq3A_78, %jit3A_79, %jit3A_76 : i32
        %rem3A_81 = arith.remsi %scan3A_56, %select_n3A_80 : i32
        %ne3A_82 = arith.constant 0 : i32
        %ne3A_83 = arith.cmpi ne, %rem3A_81, %ne3A_82 : i32
        %lt3A = arith.constant 0 : i32
        %lt3A_84 = arith.cmpi slt, %rem3A_81, %lt3A : i32
        %lt3A_85 = arith.constant 0 : i32
        %lt3A_86 = arith.cmpi slt, %select_n3A_80, %lt3A_85 : i32
        %ne3A_87 = arith.xori %lt3A_84, %lt3A_86 : i1
        %and3A_88 = arith.andi %ne3A_87, %ne3A_83 : i1
        %add3A_89 = arith.addi %rem3A_81, %select_n3A_80 : i32
        %select_n3A_90 = arith.select %and3A_88, %add3A_89, %rem3A_81 : i32
        %mul3A_91 = arith.constant 16 : i32
        %mul3A_92 = arith.muli %select_n3A_90, %mul3A_91 : i32
        %mul3A_93 = arith.constant 16 : i32
        %mul3A_94 = arith.muli %scan3A_56, %mul3A_93 : i32
        %get3A = arith.index_cast %mul3A_94 : i32 to index
        %get3A_95 = tpu.vector_load %arg11[%get3A] {strides = array<i32>} : memref<512xi32, #tpu.memory_space<vmem>>, vector<16xi32>,
        %get3A_96 = vector.shape_cast %get3A_95 : vector<16xi32> to vector<16xi32>
        %mul3A_97 = arith.constant 16 : i32
        %mul3A_98 = arith.muli %scan3A_56, %mul3A_97 : i32
        %get3A_99 = arith.index_cast %mul3A_98 : i32 to index
        %get3A_100 = tpu.vector_load %arg12[%get3A_99] {strides = array<i32>} : memref<512xi32, #tpu.memory_space<vmem>>, vector<16xi32>,
        %get3A_101 = vector.shape_cast %get3A_100 : vector<16xi32> to vector<16xi32>
        %mul3A_102 = arith.constant 16 : i32
        %mul3A_103 = arith.muli %scan3A_56, %mul3A_102 : i32
        %get3A_104 = arith.index_cast %mul3A_103 : i32 to index
        %get3A_105 = tpu.vector_load %arg13[%get3A_104] {strides = array<i32>} : memref<512xi32, #tpu.memory_space<vmem>>, vector<16xi32>,
        %get3A_106 = vector.shape_cast %get3A_105 : vector<16xi32> to vector<16xi32>
        %mul3A_107 = arith.constant 8 : i32
        %mul3A_108 = vector.broadcast %mul3A_107 : i32 to vector<16xi32>
        %mul3A_109 = arith.muli %get3A_101, %mul3A_108 : vector<16xi32>
        %add3A_110 = arith.addi %mul3A_109, %get3A_106 : vector<16xi32>
        %ge3A = arith.constant 80000 : i32
        %ge3A_111 = vector.broadcast %ge3A : i32 to vector<16xi32>
        %ge3A_112 = arith.cmpi sge, %add3A_110, %ge3A_111 : vector<16xi32>
        %jit3A_113 = arith.constant -1 : i32
        %broadcast_in_dim3A_114 = vector.broadcast %jit3A_113 : i32 to vector<16xi32>
        %select_n3A_115 = arith.select %ge3A_112, %broadcast_in_dim3A_114, %add3A_110 : vector<16xi1>, vector<16xi32>
        %swap3A = arith.index_cast %add3A_75 : i32 to index
        %swap3A_116 = arith.index_cast %mul3A_92 : i32 to index
        %swap3A_117 = tpu.vector_load %arg15[%swap3A, %swap3A_116] {strides = array<i32>} : memref<160x128xi32, #tpu.memory_space<vmem>>, vector<1x16xi32>,
        %swap3A_118 = vector.shape_cast %swap3A_117 : vector<1x16xi32> to vector<16xi32>
        %swap3A_119 = vector.shape_cast %select_n3A_115 : vector<16xi32> to vector<1x16xi32>
        tpu.vector_store %arg15[%swap3A, %swap3A_116], %swap3A_119 {strides = array<i32>} : memref<160x128xi32, #tpu.memory_space<vmem>>, vector<1x16xi32>,
        %jit3A_120 = arith.constant -1 : i32
        %broadcast_in_dim3A_121 = vector.broadcast %jit3A_120 : i32 to vector<16xi32>
        %select_n3A_122 = arith.select %ge3A_112, %broadcast_in_dim3A_121, %get3A_96 : vector<16xi1>, vector<16xi32>
        %swap3A_123 = arith.index_cast %add3A_75 : i32 to index
        %swap3A_124 = arith.index_cast %mul3A_92 : i32 to index
        %swap3A_125 = tpu.vector_load %arg14[%swap3A_123, %swap3A_124] {strides = array<i32>} : memref<160x128xi32, #tpu.memory_space<vmem>>, vector<1x16xi32>,
        %swap3A_126 = vector.shape_cast %swap3A_125 : vector<1x16xi32> to vector<16xi32>
        %swap3A_127 = vector.shape_cast %select_n3A_122 : vector<16xi32> to vector<1x16xi32>
        tpu.vector_store %arg14[%swap3A_123, %swap3A_124], %swap3A_127 {strides = array<i32>} : memref<160x128xi32, #tpu.memory_space<vmem>>, vector<1x16xi32>,
      }
      %scan3A_55 = arith.constant 32 : i32
    }
    %scan3A_4 = arith.constant 40 : i32
    %eq3A = arith.constant 0 : i32
    %eq3A_5 = arith.cmpi eq, %arg0, %eq3A : i32
    %convert_element_type3A = arith.extui %eq3A_5 : i1 to i32
    %cond3A = arith.constant 0 : i32
    %cond3A_6 = arith.cmpi ne, %convert_element_type3A, %cond3A : i32
    scf.if %cond3A_6 {
      %mul3A_34 = arith.constant 160 : i32
      %mul3A_35 = arith.muli %arg1, %mul3A_34 : i32
      "tpu.region"() ({
        %run_scoped3A = tpu.sem_alloc : memref<!tpu.dma_semaphore, #tpu.memory_space<semaphore_mem>>
        %dma_start3A = arith.constant 0 : i32
        %dma_start3A_38 = tpu.memref_slice %arg9[%mul3A_35, %dma_start3A] : memref<2560x128xi32, #tpu.memory_space<hbm>> -> memref<160x128xi32, #tpu.memory_space<hbm>>
        %dma_start3A_39 = arith.constant 0 : i32
        %dma_start3A_40 = tpu.memref_slice %arg9[%mul3A_35, %dma_start3A_39] : memref<2560x128xi32, #tpu.memory_space<hbm>> -> memref<160x128xi32, #tpu.memory_space<hbm>>
        tpu.enqueue_dma source(%arg14 : memref<160x128xi32, #tpu.memory_space<vmem>>) target(%dma_start3A_40 : memref<160x128xi32, #tpu.memory_space<hbm>>) target_semaphore(%run_scoped3A : memref<!tpu.dma_semaphore, #tpu.memory_space<semaphore_mem>>)
        %dma_wait3A = arith.constant 0 : i32
        %dma_wait3A_41 = tpu.memref_slice %arg9[%mul3A_35, %dma_wait3A] : memref<2560x128xi32, #tpu.memory_space<hbm>> -> memref<160x128xi32, #tpu.memory_space<hbm>>
        %dma_wait3A_42 = arith.constant 0 : i32
        %dma_wait3A_43 = tpu.memref_slice %arg9[%mul3A_35, %dma_wait3A_42] : memref<2560x128xi32, #tpu.memory_space<hbm>> -> memref<160x128xi32, #tpu.memory_space<hbm>>
        tpu.wait_dma2 semaphore(%run_scoped3A : memref<!tpu.dma_semaphore, #tpu.memory_space<semaphore_mem>>) src(%arg14 : memref<160x128xi32, #tpu.memory_space<vmem>>) dst(%dma_wait3A_43 : memref<160x128xi32, #tpu.memory_space<hbm>>)
        tpu.yield
      }) : () -> ()
      %mul3A_36 = arith.constant 160 : i32
      %mul3A_37 = arith.muli %arg1, %mul3A_36 : i32
      "tpu.region"() ({
        %run_scoped3A = tpu.sem_alloc : memref<!tpu.dma_semaphore, #tpu.memory_space<semaphore_mem>>
        %dma_start3A = arith.constant 0 : i32
        %dma_start3A_38 = tpu.memref_slice %arg10[%mul3A_37, %dma_start3A] : memref<2560x128xi32, #tpu.memory_space<hbm>> -> memref<160x128xi32, #tpu.memory_space<hbm>>
        %dma_start3A_39 = arith.constant 0 : i32
        %dma_start3A_40 = tpu.memref_slice %arg10[%mul3A_37, %dma_start3A_39] : memref<2560x128xi32, #tpu.memory_space<hbm>> -> memref<160x128xi32, #tpu.memory_space<hbm>>
        tpu.enqueue_dma source(%arg15 : memref<160x128xi32, #tpu.memory_space<vmem>>) target(%dma_start3A_40 : memref<160x128xi32, #tpu.memory_space<hbm>>) target_semaphore(%run_scoped3A : memref<!tpu.dma_semaphore, #tpu.memory_space<semaphore_mem>>)
        %dma_wait3A = arith.constant 0 : i32
        %dma_wait3A_41 = tpu.memref_slice %arg10[%mul3A_37, %dma_wait3A] : memref<2560x128xi32, #tpu.memory_space<hbm>> -> memref<160x128xi32, #tpu.memory_space<hbm>>
        %dma_wait3A_42 = arith.constant 0 : i32
        %dma_wait3A_43 = tpu.memref_slice %arg10[%mul3A_37, %dma_wait3A_42] : memref<2560x128xi32, #tpu.memory_space<hbm>> -> memref<160x128xi32, #tpu.memory_space<hbm>>
        tpu.wait_dma2 semaphore(%run_scoped3A : memref<!tpu.dma_semaphore, #tpu.memory_space<semaphore_mem>>) src(%arg15 : memref<160x128xi32, #tpu.memory_space<vmem>>) dst(%dma_wait3A_43 : memref<160x128xi32, #tpu.memory_space<hbm>>)
        tpu.yield
      }) : () -> ()
    } else {
    }
    %scan3A_7 = arith.constant 0 : i32
    %scan3A_8 = arith.constant 0 : i32
    %scan3A_9 = arith.constant 4 : i32
    %scan3A_10 = arith.addi %scan3A_8, %scan3A_9 : i32
    %scan3A_11 = arith.constant 1 : i32
    scf.for %scan3A_34 = %scan3A_8 to %scan3A_10 step %scan3A_11  : i32 {
      %mul3A_35 = arith.constant 4 : i32
      %mul3A_36 = arith.muli %arg0, %mul3A_35 : i32
      %add3A_37 = arith.addi %mul3A_36, %scan3A_34 : i32
      %mul3A_38 = arith.constant 10000 : i32
      %mul3A_39 = arith.muli %add3A_37, %mul3A_38 : i32
      %barrier3A_40 = arith.constant 0 : index
      tpu.barrier barrier_id(%barrier3A_40)
      %mul3A_41 = arith.constant 5000 : i32
      %mul3A_42 = arith.muli %arg1, %mul3A_41 : i32
      "tpu.region"() ({
        %run_scoped3A = tpu.sem_alloc : memref<!tpu.dma_semaphore, #tpu.memory_space<semaphore_mem>>
        %dma_start3A = arith.constant 0 : i32
        %dma_start3A_57 = tpu.memref_slice %arg17[%mul3A_42, %dma_start3A] : memref<80000x16xf32, #tpu.memory_space<vmem_shared>> -> memref<2500x16xf32, #tpu.memory_space<vmem_shared>>
        tpu.enqueue_dma source(%arg6 : memref<2500x16xf32, #tpu.memory_space<hbm>>) target(%dma_start3A_57 : memref<2500x16xf32, #tpu.memory_space<vmem_shared>>) target_semaphore(%run_scoped3A : memref<!tpu.dma_semaphore, #tpu.memory_space<semaphore_mem>>)
        %dma_wait3A = arith.constant 0 : i32
        %dma_wait3A_58 = tpu.memref_slice %arg17[%mul3A_42, %dma_wait3A] : memref<80000x16xf32, #tpu.memory_space<vmem_shared>> -> memref<2500x16xf32, #tpu.memory_space<vmem_shared>>
        tpu.wait_dma2 semaphore(%run_scoped3A : memref<!tpu.dma_semaphore, #tpu.memory_space<semaphore_mem>>) src(%arg6 : memref<2500x16xf32, #tpu.memory_space<hbm>>) dst(%dma_wait3A_58 : memref<2500x16xf32, #tpu.memory_space<vmem_shared>>)
        tpu.yield
      }) : () -> ()
      %add3A_43 = arith.constant 2500 : i32
      %add3A_44 = arith.addi %mul3A_42, %add3A_43 : i32
      "tpu.region"() ({
        %run_scoped3A = tpu.sem_alloc : memref<!tpu.dma_semaphore, #tpu.memory_space<semaphore_mem>>
        %dma_start3A = arith.constant 0 : i32
        %dma_start3A_57 = tpu.memref_slice %arg17[%add3A_44, %dma_start3A] : memref<80000x16xf32, #tpu.memory_space<vmem_shared>> -> memref<2500x16xf32, #tpu.memory_space<vmem_shared>>
        tpu.enqueue_dma source(%arg6 : memref<2500x16xf32, #tpu.memory_space<hbm>>) target(%dma_start3A_57 : memref<2500x16xf32, #tpu.memory_space<vmem_shared>>) target_semaphore(%run_scoped3A : memref<!tpu.dma_semaphore, #tpu.memory_space<semaphore_mem>>)
        %dma_wait3A = arith.constant 0 : i32
        %dma_wait3A_58 = tpu.memref_slice %arg17[%add3A_44, %dma_wait3A] : memref<80000x16xf32, #tpu.memory_space<vmem_shared>> -> memref<2500x16xf32, #tpu.memory_space<vmem_shared>>
        tpu.wait_dma2 semaphore(%run_scoped3A : memref<!tpu.dma_semaphore, #tpu.memory_space<semaphore_mem>>) src(%arg6 : memref<2500x16xf32, #tpu.memory_space<hbm>>) dst(%dma_wait3A_58 : memref<2500x16xf32, #tpu.memory_space<vmem_shared>>)
        tpu.yield
      }) : () -> ()
      %barrier3A_45 = arith.constant 0 : index
      tpu.barrier barrier_id(%barrier3A_45)
      %scan3A_46 = arith.constant 0 : i32
      %scan3A_47 = arith.constant 0 : i32
      %scan3A_48 = arith.constant 40 : i32
      %scan3A_49 = arith.addi %scan3A_47, %scan3A_48 : i32
      %scan3A_50 = arith.constant 1 : i32
      scf.for %scan3A_57 = %scan3A_47 to %scan3A_49 step %scan3A_50  : i32 {
        %mul3A_58 = arith.constant 4 : i32
        %mul3A_59 = arith.muli %scan3A_57, %mul3A_58 : i32
        %add3A_60 = arith.constant 0 : i32
        %add3A_61 = arith.addi %mul3A_59, %add3A_60 : i32
        %dma_start3A = arith.constant 0 : i32
        %dma_start3A_62 = arith.constant 0 : i32
        %dma_start3A_63 = tpu.memref_slice %arg16[%dma_start3A, %dma_start3A_62] : memref<512x16xf32, #tpu.memory_space<vmem>> -> memref<128x16xf32, #tpu.memory_space<vmem>>
        %dma_start3A_64 = arith.constant 0 : i32
        %dma_start3A_65 = tpu.memref_slice %arg14[%add3A_61, %dma_start3A_64] : memref<160x128xi32, #tpu.memory_space<vmem>> -> memref<1x128xi32, #tpu.memory_space<vmem>>
        %dma_start3A_66 = tpu.memref_squeeze %dma_start3A_65 : memref<1x128xi32, #tpu.memory_space<vmem>> -> memref<128xi32, #tpu.memory_space<vmem>>
        %dma_start3A_67 = arith.constant 0 : i32
        %dma_start3A_68 = tpu.memref_slice %arg2[%mul3A_39, %dma_start3A_67] : memref<80000x16xf32, #tpu.memory_space<hbm>> -> memref<10000x16xf32, #tpu.memory_space<hbm>>
        %dma_start3A_69 = arith.constant 0 : i32
        %dma_start3A_70 = arith.constant 0 : i32
        %dma_start3A_71 = tpu.memref_slice %dma_start3A_68[%dma_start3A_69, %dma_start3A_70] : memref<10000x16xf32, #tpu.memory_space<hbm>> -> memref<10000x16xf32, #tpu.memory_space<hbm>>
        %dma_start3A_72 = arith.constant -1 : i32
        tpu.enqueue_indirect_dma source(%dma_start3A_71 : memref<10000x16xf32, #tpu.memory_space<hbm>>) target(%dma_start3A_63 : memref<128x16xf32, #tpu.memory_space<vmem>>) offsets(%dma_start3A_66 : memref<128xi32, #tpu.memory_space<vmem>>) offset_filter(%dma_start3A_72) semaphore(%arg18 : memref<!tpu.dma_semaphore, #tpu.memory_space<semaphore_mem>>)
        %add3A_73 = arith.constant 1 : i32
        %add3A_74 = arith.addi %mul3A_59, %add3A_73 : i32
        %dma_start3A_75 = arith.constant 128 : i32
        %dma_start3A_76 = arith.constant 0 : i32
        %dma_start3A_77 = tpu.memref_slice %arg16[%dma_start3A_75, %dma_start3A_76] : memref<512x16xf32, #tpu.memory_space<vmem>> -> memref<128x16xf32, #tpu.memory_space<vmem>>
        %dma_start3A_78 = arith.constant 0 : i32
        %dma_start3A_79 = tpu.memref_slice %arg14[%add3A_74, %dma_start3A_78] : memref<160x128xi32, #tpu.memory_space<vmem>> -> memref<1x128xi32, #tpu.memory_space<vmem>>
        %dma_start3A_80 = tpu.memref_squeeze %dma_start3A_79 : memref<1x128xi32, #tpu.memory_space<vmem>> -> memref<128xi32, #tpu.memory_space<vmem>>
        %dma_start3A_81 = arith.constant 0 : i32
        %dma_start3A_82 = tpu.memref_slice %arg2[%mul3A_39, %dma_start3A_81] : memref<80000x16xf32, #tpu.memory_space<hbm>> -> memref<10000x16xf32, #tpu.memory_space<hbm>>
        %dma_start3A_83 = arith.constant 0 : i32
        %dma_start3A_84 = arith.constant 0 : i32
        %dma_start3A_85 = tpu.memref_slice %dma_start3A_82[%dma_start3A_83, %dma_start3A_84] : memref<10000x16xf32, #tpu.memory_space<hbm>> -> memref<10000x16xf32, #tpu.memory_space<hbm>>
        %dma_start3A_86 = arith.constant -1 : i32
        tpu.enqueue_indirect_dma source(%dma_start3A_85 : memref<10000x16xf32, #tpu.memory_space<hbm>>) target(%dma_start3A_77 : memref<128x16xf32, #tpu.memory_space<vmem>>) offsets(%dma_start3A_80 : memref<128xi32, #tpu.memory_space<vmem>>) offset_filter(%dma_start3A_86) semaphore(%arg18 : memref<!tpu.dma_semaphore, #tpu.memory_space<semaphore_mem>>)
        %add3A_87 = arith.constant 2 : i32
        %add3A_88 = arith.addi %mul3A_59, %add3A_87 : i32
        %dma_start3A_89 = arith.constant 256 : i32
        %dma_start3A_90 = arith.constant 0 : i32
        %dma_start3A_91 = tpu.memref_slice %arg16[%dma_start3A_89, %dma_start3A_90] : memref<512x16xf32, #tpu.memory_space<vmem>> -> memref<128x16xf32, #tpu.memory_space<vmem>>
        %dma_start3A_92 = arith.constant 0 : i32
        %dma_start3A_93 = tpu.memref_slice %arg14[%add3A_88, %dma_start3A_92] : memref<160x128xi32, #tpu.memory_space<vmem>> -> memref<1x128xi32, #tpu.memory_space<vmem>>
        %dma_start3A_94 = tpu.memref_squeeze %dma_start3A_93 : memref<1x128xi32, #tpu.memory_space<vmem>> -> memref<128xi32, #tpu.memory_space<vmem>>
        %dma_start3A_95 = arith.constant 0 : i32
        %dma_start3A_96 = tpu.memref_slice %arg2[%mul3A_39, %dma_start3A_95] : memref<80000x16xf32, #tpu.memory_space<hbm>> -> memref<10000x16xf32, #tpu.memory_space<hbm>>
        %dma_start3A_97 = arith.constant 0 : i32
        %dma_start3A_98 = arith.constant 0 : i32
        %dma_start3A_99 = tpu.memref_slice %dma_start3A_96[%dma_start3A_97, %dma_start3A_98] : memref<10000x16xf32, #tpu.memory_space<hbm>> -> memref<10000x16xf32, #tpu.memory_space<hbm>>
        %dma_start3A_100 = arith.constant -1 : i32
        tpu.enqueue_indirect_dma source(%dma_start3A_99 : memref<10000x16xf32, #tpu.memory_space<hbm>>) target(%dma_start3A_91 : memref<128x16xf32, #tpu.memory_space<vmem>>) offsets(%dma_start3A_94 : memref<128xi32, #tpu.memory_space<vmem>>) offset_filter(%dma_start3A_100) semaphore(%arg18 : memref<!tpu.dma_semaphore, #tpu.memory_space<semaphore_mem>>)
        %add3A_101 = arith.constant 3 : i32
        %add3A_102 = arith.addi %mul3A_59, %add3A_101 : i32
        %dma_start3A_103 = arith.constant 384 : i32
        %dma_start3A_104 = arith.constant 0 : i32
        %dma_start3A_105 = tpu.memref_slice %arg16[%dma_start3A_103, %dma_start3A_104] : memref<512x16xf32, #tpu.memory_space<vmem>> -> memref<128x16xf32, #tpu.memory_space<vmem>>
        %dma_start3A_106 = arith.constant 0 : i32
        %dma_start3A_107 = tpu.memref_slice %arg14[%add3A_102, %dma_start3A_106] : memref<160x128xi32, #tpu.memory_space<vmem>> -> memref<1x128xi32, #tpu.memory_space<vmem>>
        %dma_start3A_108 = tpu.memref_squeeze %dma_start3A_107 : memref<1x128xi32, #tpu.memory_space<vmem>> -> memref<128xi32, #tpu.memory_space<vmem>>
        %dma_start3A_109 = arith.constant 0 : i32
        %dma_start3A_110 = tpu.memref_slice %arg2[%mul3A_39, %dma_start3A_109] : memref<80000x16xf32, #tpu.memory_space<hbm>> -> memref<10000x16xf32, #tpu.memory_space<hbm>>
        %dma_start3A_111 = arith.constant 0 : i32
        %dma_start3A_112 = arith.constant 0 : i32
        %dma_start3A_113 = tpu.memref_slice %dma_start3A_110[%dma_start3A_111, %dma_start3A_112] : memref<10000x16xf32, #tpu.memory_space<hbm>> -> memref<10000x16xf32, #tpu.memory_space<hbm>>
        %dma_start3A_114 = arith.constant -1 : i32
        tpu.enqueue_indirect_dma source(%dma_start3A_113 : memref<10000x16xf32, #tpu.memory_space<hbm>>) target(%dma_start3A_105 : memref<128x16xf32, #tpu.memory_space<vmem>>) offsets(%dma_start3A_108 : memref<128xi32, #tpu.memory_space<vmem>>) offset_filter(%dma_start3A_114) semaphore(%arg18 : memref<!tpu.dma_semaphore, #tpu.memory_space<semaphore_mem>>)
        %dma_wait3A = arith.constant 0 : i32
        %dma_wait3A_115 = arith.constant 0 : i32
        %dma_wait3A_116 = tpu.memref_slice %arg16[%dma_wait3A, %dma_wait3A_115] : memref<512x16xf32, #tpu.memory_space<vmem>> -> memref<128x16xf32, #tpu.memory_space<vmem>>
        %dma_wait3A_117 = arith.constant 0 : i32
        %dma_wait3A_118 = tpu.memref_slice %arg14[%add3A_61, %dma_wait3A_117] : memref<160x128xi32, #tpu.memory_space<vmem>> -> memref<1x128xi32, #tpu.memory_space<vmem>>
        %dma_wait3A_119 = tpu.memref_squeeze %dma_wait3A_118 : memref<1x128xi32, #tpu.memory_space<vmem>> -> memref<128xi32, #tpu.memory_space<vmem>>
        %dma_wait3A_120 = arith.constant 0 : i32
        %dma_wait3A_121 = tpu.memref_slice %arg2[%mul3A_39, %dma_wait3A_120] : memref<80000x16xf32, #tpu.memory_space<hbm>> -> memref<10000x16xf32, #tpu.memory_space<hbm>>
        %dma_wait3A_122 = arith.constant 0 : i32
        %dma_wait3A_123 = arith.constant 0 : i32
        %dma_wait3A_124 = tpu.memref_slice %dma_wait3A_121[%dma_wait3A_122, %dma_wait3A_123] : memref<10000x16xf32, #tpu.memory_space<hbm>> -> memref<10000x16xf32, #tpu.memory_space<hbm>>
        tpu.wait_indirect_dma semaphore(%arg18 : memref<!tpu.dma_semaphore, #tpu.memory_space<semaphore_mem>>) src(%dma_wait3A_124 : memref<10000x16xf32, #tpu.memory_space<hbm>>) dst(%dma_wait3A_116 : memref<128x16xf32, #tpu.memory_space<vmem>>)
        %add3A_125 = arith.constant 0 : i32
        %add3A_126 = arith.addi %mul3A_59, %add3A_125 : i32
        %dma_start3A_127 = arith.constant 0 : i32
        %dma_start3A_128 = arith.constant 0 : i32
        %dma_start3A_129 = tpu.memref_slice %arg16[%dma_start3A_127, %dma_start3A_128] : memref<512x16xf32, #tpu.memory_space<vmem>> -> memref<128x16xf32, #tpu.memory_space<vmem>>
        %dma_start3A_130 = arith.constant 0 : i32
        %dma_start3A_131 = tpu.memref_slice %arg15[%add3A_126, %dma_start3A_130] : memref<160x128xi32, #tpu.memory_space<vmem>> -> memref<1x128xi32, #tpu.memory_space<vmem>>
        %dma_start3A_132 = tpu.memref_squeeze %dma_start3A_131 : memref<1x128xi32, #tpu.memory_space<vmem>> -> memref<128xi32, #tpu.memory_space<vmem>>
        %dma_start3A_133 = arith.constant 0 : i32
        %dma_start3A_134 = arith.constant 0 : i32
        %dma_start3A_135 = tpu.memref_slice %arg17[%dma_start3A_133, %dma_start3A_134] : memref<80000x16xf32, #tpu.memory_space<vmem_shared>> -> memref<80000x16xf32, #tpu.memory_space<vmem_shared>>
        %dma_start3A_136 = arith.constant -1 : i32
        tpu.enqueue_indirect_dma source(%dma_start3A_129 : memref<128x16xf32, #tpu.memory_space<vmem>>) target(%dma_start3A_135 : memref<80000x16xf32, #tpu.memory_space<vmem_shared>>) offsets(%dma_start3A_132 : memref<128xi32, #tpu.memory_space<vmem>>) offset_filter(%dma_start3A_136) semaphore(%arg19 : memref<!tpu.dma_semaphore, #tpu.memory_space<semaphore_mem>>) {add = true}
        %dma_wait3A_137 = arith.constant 128 : i32
        %dma_wait3A_138 = arith.constant 0 : i32
        %dma_wait3A_139 = tpu.memref_slice %arg16[%dma_wait3A_137, %dma_wait3A_138] : memref<512x16xf32, #tpu.memory_space<vmem>> -> memref<128x16xf32, #tpu.memory_space<vmem>>
        %dma_wait3A_140 = arith.constant 0 : i32
        %dma_wait3A_141 = tpu.memref_slice %arg14[%add3A_74, %dma_wait3A_140] : memref<160x128xi32, #tpu.memory_space<vmem>> -> memref<1x128xi32, #tpu.memory_space<vmem>>
        %dma_wait3A_142 = tpu.memref_squeeze %dma_wait3A_141 : memref<1x128xi32, #tpu.memory_space<vmem>> -> memref<128xi32, #tpu.memory_space<vmem>>
        %dma_wait3A_143 = arith.constant 0 : i32
        %dma_wait3A_144 = tpu.memref_slice %arg2[%mul3A_39, %dma_wait3A_143] : memref<80000x16xf32, #tpu.memory_space<hbm>> -> memref<10000x16xf32, #tpu.memory_space<hbm>>
        %dma_wait3A_145 = arith.constant 0 : i32
        %dma_wait3A_146 = arith.constant 0 : i32
        %dma_wait3A_147 = tpu.memref_slice %dma_wait3A_144[%dma_wait3A_145, %dma_wait3A_146] : memref<10000x16xf32, #tpu.memory_space<hbm>> -> memref<10000x16xf32, #tpu.memory_space<hbm>>
        tpu.wait_indirect_dma semaphore(%arg18 : memref<!tpu.dma_semaphore, #tpu.memory_space<semaphore_mem>>) src(%dma_wait3A_147 : memref<10000x16xf32, #tpu.memory_space<hbm>>) dst(%dma_wait3A_139 : memref<128x16xf32, #tpu.memory_space<vmem>>)
        %add3A_148 = arith.constant 1 : i32
        %add3A_149 = arith.addi %mul3A_59, %add3A_148 : i32
        %dma_start3A_150 = arith.constant 128 : i32
        %dma_start3A_151 = arith.constant 0 : i32
        %dma_start3A_152 = tpu.memref_slice %arg16[%dma_start3A_150, %dma_start3A_151] : memref<512x16xf32, #tpu.memory_space<vmem>> -> memref<128x16xf32, #tpu.memory_space<vmem>>
        %dma_start3A_153 = arith.constant 0 : i32
        %dma_start3A_154 = tpu.memref_slice %arg15[%add3A_149, %dma_start3A_153] : memref<160x128xi32, #tpu.memory_space<vmem>> -> memref<1x128xi32, #tpu.memory_space<vmem>>
        %dma_start3A_155 = tpu.memref_squeeze %dma_start3A_154 : memref<1x128xi32, #tpu.memory_space<vmem>> -> memref<128xi32, #tpu.memory_space<vmem>>
        %dma_start3A_156 = arith.constant 0 : i32
        %dma_start3A_157 = arith.constant 0 : i32
        %dma_start3A_158 = tpu.memref_slice %arg17[%dma_start3A_156, %dma_start3A_157] : memref<80000x16xf32, #tpu.memory_space<vmem_shared>> -> memref<80000x16xf32, #tpu.memory_space<vmem_shared>>
        %dma_start3A_159 = arith.constant -1 : i32
        tpu.enqueue_indirect_dma source(%dma_start3A_152 : memref<128x16xf32, #tpu.memory_space<vmem>>) target(%dma_start3A_158 : memref<80000x16xf32, #tpu.memory_space<vmem_shared>>) offsets(%dma_start3A_155 : memref<128xi32, #tpu.memory_space<vmem>>) offset_filter(%dma_start3A_159) semaphore(%arg19 : memref<!tpu.dma_semaphore, #tpu.memory_space<semaphore_mem>>) {add = true}
        %dma_wait3A_160 = arith.constant 256 : i32
        %dma_wait3A_161 = arith.constant 0 : i32
        %dma_wait3A_162 = tpu.memref_slice %arg16[%dma_wait3A_160, %dma_wait3A_161] : memref<512x16xf32, #tpu.memory_space<vmem>> -> memref<128x16xf32, #tpu.memory_space<vmem>>
        %dma_wait3A_163 = arith.constant 0 : i32
        %dma_wait3A_164 = tpu.memref_slice %arg14[%add3A_88, %dma_wait3A_163] : memref<160x128xi32, #tpu.memory_space<vmem>> -> memref<1x128xi32, #tpu.memory_space<vmem>>
        %dma_wait3A_165 = tpu.memref_squeeze %dma_wait3A_164 : memref<1x128xi32, #tpu.memory_space<vmem>> -> memref<128xi32, #tpu.memory_space<vmem>>
        %dma_wait3A_166 = arith.constant 0 : i32
        %dma_wait3A_167 = tpu.memref_slice %arg2[%mul3A_39, %dma_wait3A_166] : memref<80000x16xf32, #tpu.memory_space<hbm>> -> memref<10000x16xf32, #tpu.memory_space<hbm>>
        %dma_wait3A_168 = arith.constant 0 : i32
        %dma_wait3A_169 = arith.constant 0 : i32
        %dma_wait3A_170 = tpu.memref_slice %dma_wait3A_167[%dma_wait3A_168, %dma_wait3A_169] : memref<10000x16xf32, #tpu.memory_space<hbm>> -> memref<10000x16xf32, #tpu.memory_space<hbm>>
        tpu.wait_indirect_dma semaphore(%arg18 : memref<!tpu.dma_semaphore, #tpu.memory_space<semaphore_mem>>) src(%dma_wait3A_170 : memref<10000x16xf32, #tpu.memory_space<hbm>>) dst(%dma_wait3A_162 : memref<128x16xf32, #tpu.memory_space<vmem>>)
        %add3A_171 = arith.constant 2 : i32
        %add3A_172 = arith.addi %mul3A_59, %add3A_171 : i32
        %dma_start3A_173 = arith.constant 256 : i32
        %dma_start3A_174 = arith.constant 0 : i32
        %dma_start3A_175 = tpu.memref_slice %arg16[%dma_start3A_173, %dma_start3A_174] : memref<512x16xf32, #tpu.memory_space<vmem>> -> memref<128x16xf32, #tpu.memory_space<vmem>>
        %dma_start3A_176 = arith.constant 0 : i32
        %dma_start3A_177 = tpu.memref_slice %arg15[%add3A_172, %dma_start3A_176] : memref<160x128xi32, #tpu.memory_space<vmem>> -> memref<1x128xi32, #tpu.memory_space<vmem>>
        %dma_start3A_178 = tpu.memref_squeeze %dma_start3A_177 : memref<1x128xi32, #tpu.memory_space<vmem>> -> memref<128xi32, #tpu.memory_space<vmem>>
        %dma_start3A_179 = arith.constant 0 : i32
        %dma_start3A_180 = arith.constant 0 : i32
        %dma_start3A_181 = tpu.memref_slice %arg17[%dma_start3A_179, %dma_start3A_180] : memref<80000x16xf32, #tpu.memory_space<vmem_shared>> -> memref<80000x16xf32, #tpu.memory_space<vmem_shared>>
        %dma_start3A_182 = arith.constant -1 : i32
        tpu.enqueue_indirect_dma source(%dma_start3A_175 : memref<128x16xf32, #tpu.memory_space<vmem>>) target(%dma_start3A_181 : memref<80000x16xf32, #tpu.memory_space<vmem_shared>>) offsets(%dma_start3A_178 : memref<128xi32, #tpu.memory_space<vmem>>) offset_filter(%dma_start3A_182) semaphore(%arg19 : memref<!tpu.dma_semaphore, #tpu.memory_space<semaphore_mem>>) {add = true}
        %dma_wait3A_183 = arith.constant 384 : i32
        %dma_wait3A_184 = arith.constant 0 : i32
        %dma_wait3A_185 = tpu.memref_slice %arg16[%dma_wait3A_183, %dma_wait3A_184] : memref<512x16xf32, #tpu.memory_space<vmem>> -> memref<128x16xf32, #tpu.memory_space<vmem>>
        %dma_wait3A_186 = arith.constant 0 : i32
        %dma_wait3A_187 = tpu.memref_slice %arg14[%add3A_102, %dma_wait3A_186] : memref<160x128xi32, #tpu.memory_space<vmem>> -> memref<1x128xi32, #tpu.memory_space<vmem>>
        %dma_wait3A_188 = tpu.memref_squeeze %dma_wait3A_187 : memref<1x128xi32, #tpu.memory_space<vmem>> -> memref<128xi32, #tpu.memory_space<vmem>>
        %dma_wait3A_189 = arith.constant 0 : i32
        %dma_wait3A_190 = tpu.memref_slice %arg2[%mul3A_39, %dma_wait3A_189] : memref<80000x16xf32, #tpu.memory_space<hbm>> -> memref<10000x16xf32, #tpu.memory_space<hbm>>
        %dma_wait3A_191 = arith.constant 0 : i32
        %dma_wait3A_192 = arith.constant 0 : i32
        %dma_wait3A_193 = tpu.memref_slice %dma_wait3A_190[%dma_wait3A_191, %dma_wait3A_192] : memref<10000x16xf32, #tpu.memory_space<hbm>> -> memref<10000x16xf32, #tpu.memory_space<hbm>>
        tpu.wait_indirect_dma semaphore(%arg18 : memref<!tpu.dma_semaphore, #tpu.memory_space<semaphore_mem>>) src(%dma_wait3A_193 : memref<10000x16xf32, #tpu.memory_space<hbm>>) dst(%dma_wait3A_185 : memref<128x16xf32, #tpu.memory_space<vmem>>)
        %add3A_194 = arith.constant 3 : i32
        %add3A_195 = arith.addi %mul3A_59, %add3A_194 : i32
        %dma_start3A_196 = arith.constant 384 : i32
        %dma_start3A_197 = arith.constant 0 : i32
        %dma_start3A_198 = tpu.memref_slice %arg16[%dma_start3A_196, %dma_start3A_197] : memref<512x16xf32, #tpu.memory_space<vmem>> -> memref<128x16xf32, #tpu.memory_space<vmem>>
        %dma_start3A_199 = arith.constant 0 : i32
        %dma_start3A_200 = tpu.memref_slice %arg15[%add3A_195, %dma_start3A_199] : memref<160x128xi32, #tpu.memory_space<vmem>> -> memref<1x128xi32, #tpu.memory_space<vmem>>
        %dma_start3A_201 = tpu.memref_squeeze %dma_start3A_200 : memref<1x128xi32, #tpu.memory_space<vmem>> -> memref<128xi32, #tpu.memory_space<vmem>>
        %dma_start3A_202 = arith.constant 0 : i32
        %dma_start3A_203 = arith.constant 0 : i32
        %dma_start3A_204 = tpu.memref_slice %arg17[%dma_start3A_202, %dma_start3A_203] : memref<80000x16xf32, #tpu.memory_space<vmem_shared>> -> memref<80000x16xf32, #tpu.memory_space<vmem_shared>>
        %dma_start3A_205 = arith.constant -1 : i32
        tpu.enqueue_indirect_dma source(%dma_start3A_198 : memref<128x16xf32, #tpu.memory_space<vmem>>) target(%dma_start3A_204 : memref<80000x16xf32, #tpu.memory_space<vmem_shared>>) offsets(%dma_start3A_201 : memref<128xi32, #tpu.memory_space<vmem>>) offset_filter(%dma_start3A_205) semaphore(%arg19 : memref<!tpu.dma_semaphore, #tpu.memory_space<semaphore_mem>>) {add = true}
        %dma_wait3A_206 = arith.constant 0 : i32
        %dma_wait3A_207 = arith.constant 0 : i32
        %dma_wait3A_208 = tpu.memref_slice %arg16[%dma_wait3A_206, %dma_wait3A_207] : memref<512x16xf32, #tpu.memory_space<vmem>> -> memref<128x16xf32, #tpu.memory_space<vmem>>
        %dma_wait3A_209 = arith.constant 0 : i32
        %dma_wait3A_210 = tpu.memref_slice %arg15[%add3A_126, %dma_wait3A_209] : memref<160x128xi32, #tpu.memory_space<vmem>> -> memref<1x128xi32, #tpu.memory_space<vmem>>
        %dma_wait3A_211 = tpu.memref_squeeze %dma_wait3A_210 : memref<1x128xi32, #tpu.memory_space<vmem>> -> memref<128xi32, #tpu.memory_space<vmem>>
        %dma_wait3A_212 = arith.constant 0 : i32
        %dma_wait3A_213 = arith.constant 0 : i32
        %dma_wait3A_214 = tpu.memref_slice %arg17[%dma_wait3A_212, %dma_wait3A_213] : memref<80000x16xf32, #tpu.memory_space<vmem_shared>> -> memref<80000x16xf32, #tpu.memory_space<vmem_shared>>
        tpu.wait_indirect_dma semaphore(%arg19 : memref<!tpu.dma_semaphore, #tpu.memory_space<semaphore_mem>>) src(%dma_wait3A_208 : memref<128x16xf32, #tpu.memory_space<vmem>>) dst(%dma_wait3A_214 : memref<80000x16xf32, #tpu.memory_space<vmem_shared>>)
        %dma_wait3A_215 = arith.constant 128 : i32
        %dma_wait3A_216 = arith.constant 0 : i32
        %dma_wait3A_217 = tpu.memref_slice %arg16[%dma_wait3A_215, %dma_wait3A_216] : memref<512x16xf32, #tpu.memory_space<vmem>> -> memref<128x16xf32, #tpu.memory_space<vmem>>
        %dma_wait3A_218 = arith.constant 0 : i32
        %dma_wait3A_219 = tpu.memref_slice %arg15[%add3A_149, %dma_wait3A_218] : memref<160x128xi32, #tpu.memory_space<vmem>> -> memref<1x128xi32, #tpu.memory_space<vmem>>
        %dma_wait3A_220 = tpu.memref_squeeze %dma_wait3A_219 : memref<1x128xi32, #tpu.memory_space<vmem>> -> memref<128xi32, #tpu.memory_space<vmem>>
        %dma_wait3A_221 = arith.constant 0 : i32
        %dma_wait3A_222 = arith.constant 0 : i32
        %dma_wait3A_223 = tpu.memref_slice %arg17[%dma_wait3A_221, %dma_wait3A_222] : memref<80000x16xf32, #tpu.memory_space<vmem_shared>> -> memref<80000x16xf32, #tpu.memory_space<vmem_shared>>
        tpu.wait_indirect_dma semaphore(%arg19 : memref<!tpu.dma_semaphore, #tpu.memory_space<semaphore_mem>>) src(%dma_wait3A_217 : memref<128x16xf32, #tpu.memory_space<vmem>>) dst(%dma_wait3A_223 : memref<80000x16xf32, #tpu.memory_space<vmem_shared>>)
        %dma_wait3A_224 = arith.constant 256 : i32
        %dma_wait3A_225 = arith.constant 0 : i32
        %dma_wait3A_226 = tpu.memref_slice %arg16[%dma_wait3A_224, %dma_wait3A_225] : memref<512x16xf32, #tpu.memory_space<vmem>> -> memref<128x16xf32, #tpu.memory_space<vmem>>
        %dma_wait3A_227 = arith.constant 0 : i32
        %dma_wait3A_228 = tpu.memref_slice %arg15[%add3A_172, %dma_wait3A_227] : memref<160x128xi32, #tpu.memory_space<vmem>> -> memref<1x128xi32, #tpu.memory_space<vmem>>
        %dma_wait3A_229 = tpu.memref_squeeze %dma_wait3A_228 : memref<1x128xi32, #tpu.memory_space<vmem>> -> memref<128xi32, #tpu.memory_space<vmem>>
        %dma_wait3A_230 = arith.constant 0 : i32
        %dma_wait3A_231 = arith.constant 0 : i32
        %dma_wait3A_232 = tpu.memref_slice %arg17[%dma_wait3A_230, %dma_wait3A_231] : memref<80000x16xf32, #tpu.memory_space<vmem_shared>> -> memref<80000x16xf32, #tpu.memory_space<vmem_shared>>
        tpu.wait_indirect_dma semaphore(%arg19 : memref<!tpu.dma_semaphore, #tpu.memory_space<semaphore_mem>>) src(%dma_wait3A_226 : memref<128x16xf32, #tpu.memory_space<vmem>>) dst(%dma_wait3A_232 : memref<80000x16xf32, #tpu.memory_space<vmem_shared>>)
        %dma_wait3A_233 = arith.constant 384 : i32
        %dma_wait3A_234 = arith.constant 0 : i32
        %dma_wait3A_235 = tpu.memref_slice %arg16[%dma_wait3A_233, %dma_wait3A_234] : memref<512x16xf32, #tpu.memory_space<vmem>> -> memref<128x16xf32, #tpu.memory_space<vmem>>
        %dma_wait3A_236 = arith.constant 0 : i32
        %dma_wait3A_237 = tpu.memref_slice %arg15[%add3A_195, %dma_wait3A_236] : memref<160x128xi32, #tpu.memory_space<vmem>> -> memref<1x128xi32, #tpu.memory_space<vmem>>
        %dma_wait3A_238 = tpu.memref_squeeze %dma_wait3A_237 : memref<1x128xi32, #tpu.memory_space<vmem>> -> memref<128xi32, #tpu.memory_space<vmem>>
        %dma_wait3A_239 = arith.constant 0 : i32
        %dma_wait3A_240 = arith.constant 0 : i32
        %dma_wait3A_241 = tpu.memref_slice %arg17[%dma_wait3A_239, %dma_wait3A_240] : memref<80000x16xf32, #tpu.memory_space<vmem_shared>> -> memref<80000x16xf32, #tpu.memory_space<vmem_shared>>
        tpu.wait_indirect_dma semaphore(%arg19 : memref<!tpu.dma_semaphore, #tpu.memory_space<semaphore_mem>>) src(%dma_wait3A_235 : memref<128x16xf32, #tpu.memory_space<vmem>>) dst(%dma_wait3A_241 : memref<80000x16xf32, #tpu.memory_space<vmem_shared>>)
      }
      %scan3A_51 = arith.constant 40 : i32
      %barrier3A_52 = arith.constant 0 : index
      tpu.barrier barrier_id(%barrier3A_52)
      %mul3A_53 = arith.constant 5000 : i32
      %mul3A_54 = arith.muli %arg1, %mul3A_53 : i32
      %mul3A_55 = arith.constant 5000 : i32
      %mul3A_56 = arith.muli %arg1, %mul3A_55 : i32
      "tpu.region"() ({
        %run_scoped3A = tpu.sem_alloc : memref<!tpu.dma_semaphore, #tpu.memory_space<semaphore_mem>>
        %dma_start3A = arith.constant 0 : i32
        %dma_start3A_57 = tpu.memref_slice %arg7[%add3A_37, %mul3A_56, %dma_start3A] : memref<8x80000x16xf32, #tpu.memory_space<hbm>> -> memref<1x5000x16xf32, #tpu.memory_space<hbm>>
        %dma_start3A_58 = tpu.memref_squeeze %dma_start3A_57 : memref<1x5000x16xf32, #tpu.memory_space<hbm>> -> memref<5000x16xf32, #tpu.memory_space<hbm>>
        %dma_start3A_59 = arith.constant 0 : i32
        %dma_start3A_60 = tpu.memref_slice %arg17[%mul3A_54, %dma_start3A_59] : memref<80000x16xf32, #tpu.memory_space<vmem_shared>> -> memref<5000x16xf32, #tpu.memory_space<vmem_shared>>
        tpu.enqueue_dma source(%dma_start3A_60 : memref<5000x16xf32, #tpu.memory_space<vmem_shared>>) target(%dma_start3A_58 : memref<5000x16xf32, #tpu.memory_space<hbm>>) target_semaphore(%run_scoped3A : memref<!tpu.dma_semaphore, #tpu.memory_space<semaphore_mem>>)
        %dma_wait3A = arith.constant 0 : i32
        %dma_wait3A_61 = tpu.memref_slice %arg7[%add3A_37, %mul3A_56, %dma_wait3A] : memref<8x80000x16xf32, #tpu.memory_space<hbm>> -> memref<1x5000x16xf32, #tpu.memory_space<hbm>>
        %dma_wait3A_62 = tpu.memref_squeeze %dma_wait3A_61 : memref<1x5000x16xf32, #tpu.memory_space<hbm>> -> memref<5000x16xf32, #tpu.memory_space<hbm>>
        %dma_wait3A_63 = arith.constant 0 : i32
        %dma_wait3A_64 = tpu.memref_slice %arg17[%mul3A_54, %dma_wait3A_63] : memref<80000x16xf32, #tpu.memory_space<vmem_shared>> -> memref<5000x16xf32, #tpu.memory_space<vmem_shared>>
        tpu.wait_dma2 semaphore(%run_scoped3A : memref<!tpu.dma_semaphore, #tpu.memory_space<semaphore_mem>>) src(%dma_wait3A_64 : memref<5000x16xf32, #tpu.memory_space<vmem_shared>>) dst(%dma_wait3A_62 : memref<5000x16xf32, #tpu.memory_space<hbm>>)
        tpu.yield
      }) : () -> ()
    }
    %scan3A_12 = arith.constant 4 : i32
    %barrier3A = arith.constant 0 : index
    tpu.barrier barrier_id(%barrier3A)
    %mul3A = arith.constant 5000 : i32
    %mul3A_13 = arith.muli %arg1, %mul3A : i32
    "tpu.region"() ({
      %run_scoped3A = tpu.sem_alloc : memref<!tpu.dma_semaphore, #tpu.memory_space<semaphore_mem>>
      %dma_start3A = arith.constant 0 : i32
      %dma_start3A_34 = tpu.memref_slice %arg17[%mul3A_13, %dma_start3A] : memref<80000x16xf32, #tpu.memory_space<vmem_shared>> -> memref<2500x16xf32, #tpu.memory_space<vmem_shared>>
      tpu.enqueue_dma source(%arg6 : memref<2500x16xf32, #tpu.memory_space<hbm>>) target(%dma_start3A_34 : memref<2500x16xf32, #tpu.memory_space<vmem_shared>>) target_semaphore(%run_scoped3A : memref<!tpu.dma_semaphore, #tpu.memory_space<semaphore_mem>>)
      %dma_wait3A = arith.constant 0 : i32
      %dma_wait3A_35 = tpu.memref_slice %arg17[%mul3A_13, %dma_wait3A] : memref<80000x16xf32, #tpu.memory_space<vmem_shared>> -> memref<2500x16xf32, #tpu.memory_space<vmem_shared>>
      tpu.wait_dma2 semaphore(%run_scoped3A : memref<!tpu.dma_semaphore, #tpu.memory_space<semaphore_mem>>) src(%arg6 : memref<2500x16xf32, #tpu.memory_space<hbm>>) dst(%dma_wait3A_35 : memref<2500x16xf32, #tpu.memory_space<vmem_shared>>)
      tpu.yield
    }) : () -> ()
    %add3A = arith.constant 2500 : i32
    %add3A_14 = arith.addi %mul3A_13, %add3A : i32
    "tpu.region"() ({
      %run_scoped3A = tpu.sem_alloc : memref<!tpu.dma_semaphore, #tpu.memory_space<semaphore_mem>>
      %dma_start3A = arith.constant 0 : i32
      %dma_start3A_34 = tpu.memref_slice %arg17[%add3A_14, %dma_start3A] : memref<80000x16xf32, #tpu.memory_space<vmem_shared>> -> memref<2500x16xf32, #tpu.memory_space<vmem_shared>>
      tpu.enqueue_dma source(%arg6 : memref<2500x16xf32, #tpu.memory_space<hbm>>) target(%dma_start3A_34 : memref<2500x16xf32, #tpu.memory_space<vmem_shared>>) target_semaphore(%run_scoped3A : memref<!tpu.dma_semaphore, #tpu.memory_space<semaphore_mem>>)
      %dma_wait3A = arith.constant 0 : i32
      %dma_wait3A_35 = tpu.memref_slice %arg17[%add3A_14, %dma_wait3A] : memref<80000x16xf32, #tpu.memory_space<vmem_shared>> -> memref<2500x16xf32, #tpu.memory_space<vmem_shared>>
      tpu.wait_dma2 semaphore(%run_scoped3A : memref<!tpu.dma_semaphore, #tpu.memory_space<semaphore_mem>>) src(%arg6 : memref<2500x16xf32, #tpu.memory_space<hbm>>) dst(%dma_wait3A_35 : memref<2500x16xf32, #tpu.memory_space<vmem_shared>>)
      tpu.yield
    }) : () -> ()
    %broadcast_in_dim3A = arith.constant 1.000000e+00 : f32
    %broadcast_in_dim3A_15 = vector.broadcast %broadcast_in_dim3A : f32 to vector<16xf32>
    %scan3A_16 = arith.constant 0 : i32
    %scan3A_17 = arith.constant 0 : i32
    %scan3A_18 = arith.constant 128 : i32
    %scan3A_19 = arith.addi %scan3A_17, %scan3A_18 : i32
    %scan3A_20 = arith.constant 1 : i32
    scf.for %scan3A_34 = %scan3A_17 to %scan3A_19 step %scan3A_20  : i32 {
      %swap3A = arith.index_cast %scan3A_34 : i32 to index
      %swap3A_35 = arith.constant 0 : index
      %swap3A_36 = tpu.vector_load %arg16[%swap3A, %swap3A_35] {strides = array<i32>} : memref<512x16xf32, #tpu.memory_space<vmem>>, vector<1x16xf32>,
      %swap3A_37 = vector.shape_cast %swap3A_36 : vector<1x16xf32> to vector<16xf32>
      %swap3A_38 = vector.shape_cast %broadcast_in_dim3A_15 : vector<16xf32> to vector<1x16xf32>
      tpu.vector_store %arg16[%swap3A, %swap3A_35], %swap3A_38 {strides = array<i32>} : memref<512x16xf32, #tpu.memory_space<vmem>>, vector<1x16xf32>,
    }
    %scan3A_21 = arith.constant 128 : i32
    %barrier3A_22 = arith.constant 0 : index
    tpu.barrier barrier_id(%barrier3A_22)
    %scan3A_23 = arith.constant 0 : i32
    %scan3A_24 = arith.constant 0 : i32
    %scan3A_25 = arith.constant 40 : i32
    %scan3A_26 = arith.addi %scan3A_24, %scan3A_25 : i32
    %scan3A_27 = arith.constant 1 : i32
    scf.for %scan3A_34 = %scan3A_24 to %scan3A_26 step %scan3A_27  : i32 {
      %mul3A_35 = arith.constant 4 : i32
      %mul3A_36 = arith.muli %scan3A_34, %mul3A_35 : i32
      %add3A_37 = arith.constant 0 : i32
      %add3A_38 = arith.addi %mul3A_36, %add3A_37 : i32
      %dma_start3A = arith.constant 0 : i32
      %dma_start3A_39 = arith.constant 0 : i32
      %dma_start3A_40 = tpu.memref_slice %arg16[%dma_start3A, %dma_start3A_39] : memref<512x16xf32, #tpu.memory_space<vmem>> -> memref<128x16xf32, #tpu.memory_space<vmem>>
      %dma_start3A_41 = arith.constant 0 : i32
      %dma_start3A_42 = tpu.memref_slice %arg15[%add3A_38, %dma_start3A_41] : memref<160x128xi32, #tpu.memory_space<vmem>> -> memref<1x128xi32, #tpu.memory_space<vmem>>
      %dma_start3A_43 = tpu.memref_squeeze %dma_start3A_42 : memref<1x128xi32, #tpu.memory_space<vmem>> -> memref<128xi32, #tpu.memory_space<vmem>>
      %dma_start3A_44 = arith.constant 0 : i32
      %dma_start3A_45 = arith.constant 0 : i32
      %dma_start3A_46 = tpu.memref_slice %arg17[%dma_start3A_44, %dma_start3A_45] : memref<80000x16xf32, #tpu.memory_space<vmem_shared>> -> memref<80000x16xf32, #tpu.memory_space<vmem_shared>>
      %dma_start3A_47 = arith.constant -1 : i32
      tpu.enqueue_indirect_dma source(%dma_start3A_40 : memref<128x16xf32, #tpu.memory_space<vmem>>) target(%dma_start3A_46 : memref<80000x16xf32, #tpu.memory_space<vmem_shared>>) offsets(%dma_start3A_43 : memref<128xi32, #tpu.memory_space<vmem>>) offset_filter(%dma_start3A_47) semaphore(%arg19 : memref<!tpu.dma_semaphore, #tpu.memory_space<semaphore_mem>>) {add = true}
      %add3A_48 = arith.constant 1 : i32
      %add3A_49 = arith.addi %mul3A_36, %add3A_48 : i32
      %dma_start3A_50 = arith.constant 0 : i32
      %dma_start3A_51 = arith.constant 0 : i32
      %dma_start3A_52 = tpu.memref_slice %arg16[%dma_start3A_50, %dma_start3A_51] : memref<512x16xf32, #tpu.memory_space<vmem>> -> memref<128x16xf32, #tpu.memory_space<vmem>>
      %dma_start3A_53 = arith.constant 0 : i32
      %dma_start3A_54 = tpu.memref_slice %arg15[%add3A_49, %dma_start3A_53] : memref<160x128xi32, #tpu.memory_space<vmem>> -> memref<1x128xi32, #tpu.memory_space<vmem>>
      %dma_start3A_55 = tpu.memref_squeeze %dma_start3A_54 : memref<1x128xi32, #tpu.memory_space<vmem>> -> memref<128xi32, #tpu.memory_space<vmem>>
      %dma_start3A_56 = arith.constant 0 : i32
      %dma_start3A_57 = arith.constant 0 : i32
      %dma_start3A_58 = tpu.memref_slice %arg17[%dma_start3A_56, %dma_start3A_57] : memref<80000x16xf32, #tpu.memory_space<vmem_shared>> -> memref<80000x16xf32, #tpu.memory_space<vmem_shared>>
      %dma_start3A_59 = arith.constant -1 : i32
      tpu.enqueue_indirect_dma source(%dma_start3A_52 : memref<128x16xf32, #tpu.memory_space<vmem>>) target(%dma_start3A_58 : memref<80000x16xf32, #tpu.memory_space<vmem_shared>>) offsets(%dma_start3A_55 : memref<128xi32, #tpu.memory_space<vmem>>) offset_filter(%dma_start3A_59) semaphore(%arg19 : memref<!tpu.dma_semaphore, #tpu.memory_space<semaphore_mem>>) {add = true}
      %add3A_60 = arith.constant 2 : i32
      %add3A_61 = arith.addi %mul3A_36, %add3A_60 : i32
      %dma_start3A_62 = arith.constant 0 : i32
      %dma_start3A_63 = arith.constant 0 : i32
      %dma_start3A_64 = tpu.memref_slice %arg16[%dma_start3A_62, %dma_start3A_63] : memref<512x16xf32, #tpu.memory_space<vmem>> -> memref<128x16xf32, #tpu.memory_space<vmem>>
      %dma_start3A_65 = arith.constant 0 : i32
      %dma_start3A_66 = tpu.memref_slice %arg15[%add3A_61, %dma_start3A_65] : memref<160x128xi32, #tpu.memory_space<vmem>> -> memref<1x128xi32, #tpu.memory_space<vmem>>
      %dma_start3A_67 = tpu.memref_squeeze %dma_start3A_66 : memref<1x128xi32, #tpu.memory_space<vmem>> -> memref<128xi32, #tpu.memory_space<vmem>>
      %dma_start3A_68 = arith.constant 0 : i32
      %dma_start3A_69 = arith.constant 0 : i32
      %dma_start3A_70 = tpu.memref_slice %arg17[%dma_start3A_68, %dma_start3A_69] : memref<80000x16xf32, #tpu.memory_space<vmem_shared>> -> memref<80000x16xf32, #tpu.memory_space<vmem_shared>>
      %dma_start3A_71 = arith.constant -1 : i32
      tpu.enqueue_indirect_dma source(%dma_start3A_64 : memref<128x16xf32, #tpu.memory_space<vmem>>) target(%dma_start3A_70 : memref<80000x16xf32, #tpu.memory_space<vmem_shared>>) offsets(%dma_start3A_67 : memref<128xi32, #tpu.memory_space<vmem>>) offset_filter(%dma_start3A_71) semaphore(%arg19 : memref<!tpu.dma_semaphore, #tpu.memory_space<semaphore_mem>>) {add = true}
      %add3A_72 = arith.constant 3 : i32
      %add3A_73 = arith.addi %mul3A_36, %add3A_72 : i32
      %dma_start3A_74 = arith.constant 0 : i32
      %dma_start3A_75 = arith.constant 0 : i32
      %dma_start3A_76 = tpu.memref_slice %arg16[%dma_start3A_74, %dma_start3A_75] : memref<512x16xf32, #tpu.memory_space<vmem>> -> memref<128x16xf32, #tpu.memory_space<vmem>>
      %dma_start3A_77 = arith.constant 0 : i32
      %dma_start3A_78 = tpu.memref_slice %arg15[%add3A_73, %dma_start3A_77] : memref<160x128xi32, #tpu.memory_space<vmem>> -> memref<1x128xi32, #tpu.memory_space<vmem>>
      %dma_start3A_79 = tpu.memref_squeeze %dma_start3A_78 : memref<1x128xi32, #tpu.memory_space<vmem>> -> memref<128xi32, #tpu.memory_space<vmem>>
      %dma_start3A_80 = arith.constant 0 : i32
      %dma_start3A_81 = arith.constant 0 : i32
      %dma_start3A_82 = tpu.memref_slice %arg17[%dma_start3A_80, %dma_start3A_81] : memref<80000x16xf32, #tpu.memory_space<vmem_shared>> -> memref<80000x16xf32, #tpu.memory_space<vmem_shared>>
      %dma_start3A_83 = arith.constant -1 : i32
      tpu.enqueue_indirect_dma source(%dma_start3A_76 : memref<128x16xf32, #tpu.memory_space<vmem>>) target(%dma_start3A_82 : memref<80000x16xf32, #tpu.memory_space<vmem_shared>>) offsets(%dma_start3A_79 : memref<128xi32, #tpu.memory_space<vmem>>) offset_filter(%dma_start3A_83) semaphore(%arg19 : memref<!tpu.dma_semaphore, #tpu.memory_space<semaphore_mem>>) {add = true}
      %dma_wait3A = arith.constant 0 : i32
      %dma_wait3A_84 = arith.constant 0 : i32
      %dma_wait3A_85 = tpu.memref_slice %arg16[%dma_wait3A, %dma_wait3A_84] : memref<512x16xf32, #tpu.memory_space<vmem>> -> memref<128x16xf32, #tpu.memory_space<vmem>>
      %dma_wait3A_86 = arith.constant 0 : i32
      %dma_wait3A_87 = tpu.memref_slice %arg15[%add3A_38, %dma_wait3A_86] : memref<160x128xi32, #tpu.memory_space<vmem>> -> memref<1x128xi32, #tpu.memory_space<vmem>>
      %dma_wait3A_88 = tpu.memref_squeeze %dma_wait3A_87 : memref<1x128xi32, #tpu.memory_space<vmem>> -> memref<128xi32, #tpu.memory_space<vmem>>
      %dma_wait3A_89 = arith.constant 0 : i32
      %dma_wait3A_90 = arith.constant 0 : i32
      %dma_wait3A_91 = tpu.memref_slice %arg17[%dma_wait3A_89, %dma_wait3A_90] : memref<80000x16xf32, #tpu.memory_space<vmem_shared>> -> memref<80000x16xf32, #tpu.memory_space<vmem_shared>>
      tpu.wait_indirect_dma semaphore(%arg19 : memref<!tpu.dma_semaphore, #tpu.memory_space<semaphore_mem>>) src(%dma_wait3A_85 : memref<128x16xf32, #tpu.memory_space<vmem>>) dst(%dma_wait3A_91 : memref<80000x16xf32, #tpu.memory_space<vmem_shared>>)
      %dma_wait3A_92 = arith.constant 0 : i32
      %dma_wait3A_93 = arith.constant 0 : i32
      %dma_wait3A_94 = tpu.memref_slice %arg16[%dma_wait3A_92, %dma_wait3A_93] : memref<512x16xf32, #tpu.memory_space<vmem>> -> memref<128x16xf32, #tpu.memory_space<vmem>>
      %dma_wait3A_95 = arith.constant 0 : i32
      %dma_wait3A_96 = tpu.memref_slice %arg15[%add3A_49, %dma_wait3A_95] : memref<160x128xi32, #tpu.memory_space<vmem>> -> memref<1x128xi32, #tpu.memory_space<vmem>>
      %dma_wait3A_97 = tpu.memref_squeeze %dma_wait3A_96 : memref<1x128xi32, #tpu.memory_space<vmem>> -> memref<128xi32, #tpu.memory_space<vmem>>
      %dma_wait3A_98 = arith.constant 0 : i32
      %dma_wait3A_99 = arith.constant 0 : i32
      %dma_wait3A_100 = tpu.memref_slice %arg17[%dma_wait3A_98, %dma_wait3A_99] : memref<80000x16xf32, #tpu.memory_space<vmem_shared>> -> memref<80000x16xf32, #tpu.memory_space<vmem_shared>>
      tpu.wait_indirect_dma semaphore(%arg19 : memref<!tpu.dma_semaphore, #tpu.memory_space<semaphore_mem>>) src(%dma_wait3A_94 : memref<128x16xf32, #tpu.memory_space<vmem>>) dst(%dma_wait3A_100 : memref<80000x16xf32, #tpu.memory_space<vmem_shared>>)
      %dma_wait3A_101 = arith.constant 0 : i32
      %dma_wait3A_102 = arith.constant 0 : i32
      %dma_wait3A_103 = tpu.memref_slice %arg16[%dma_wait3A_101, %dma_wait3A_102] : memref<512x16xf32, #tpu.memory_space<vmem>> -> memref<128x16xf32, #tpu.memory_space<vmem>>
      %dma_wait3A_104 = arith.constant 0 : i32
      %dma_wait3A_105 = tpu.memref_slice %arg15[%add3A_61, %dma_wait3A_104] : memref<160x128xi32, #tpu.memory_space<vmem>> -> memref<1x128xi32, #tpu.memory_space<vmem>>
      %dma_wait3A_106 = tpu.memref_squeeze %dma_wait3A_105 : memref<1x128xi32, #tpu.memory_space<vmem>> -> memref<128xi32, #tpu.memory_space<vmem>>
      %dma_wait3A_107 = arith.constant 0 : i32
      %dma_wait3A_108 = arith.constant 0 : i32
      %dma_wait3A_109 = tpu.memref_slice %arg17[%dma_wait3A_107, %dma_wait3A_108] : memref<80000x16xf32, #tpu.memory_space<vmem_shared>> -> memref<80000x16xf32, #tpu.memory_space<vmem_shared>>
      tpu.wait_indirect_dma semaphore(%arg19 : memref<!tpu.dma_semaphore, #tpu.memory_space<semaphore_mem>>) src(%dma_wait3A_103 : memref<128x16xf32, #tpu.memory_space<vmem>>) dst(%dma_wait3A_109 : memref<80000x16xf32, #tpu.memory_space<vmem_shared>>)
      %dma_wait3A_110 = arith.constant 0 : i32
      %dma_wait3A_111 = arith.constant 0 : i32
      %dma_wait3A_112 = tpu.memref_slice %arg16[%dma_wait3A_110, %dma_wait3A_111] : memref<512x16xf32, #tpu.memory_space<vmem>> -> memref<128x16xf32, #tpu.memory_space<vmem>>
      %dma_wait3A_113 = arith.constant 0 : i32
      %dma_wait3A_114 = tpu.memref_slice %arg15[%add3A_73, %dma_wait3A_113] : memref<160x128xi32, #tpu.memory_space<vmem>> -> memref<1x128xi32, #tpu.memory_space<vmem>>
      %dma_wait3A_115 = tpu.memref_squeeze %dma_wait3A_114 : memref<1x128xi32, #tpu.memory_space<vmem>> -> memref<128xi32, #tpu.memory_space<vmem>>
      %dma_wait3A_116 = arith.constant 0 : i32
      %dma_wait3A_117 = arith.constant 0 : i32
      %dma_wait3A_118 = tpu.memref_slice %arg17[%dma_wait3A_116, %dma_wait3A_117] : memref<80000x16xf32, #tpu.memory_space<vmem_shared>> -> memref<80000x16xf32, #tpu.memory_space<vmem_shared>>
      tpu.wait_indirect_dma semaphore(%arg19 : memref<!tpu.dma_semaphore, #tpu.memory_space<semaphore_mem>>) src(%dma_wait3A_112 : memref<128x16xf32, #tpu.memory_space<vmem>>) dst(%dma_wait3A_118 : memref<80000x16xf32, #tpu.memory_space<vmem_shared>>)
    }
    %scan3A_28 = arith.constant 40 : i32
    %barrier3A_29 = arith.constant 0 : index
    tpu.barrier barrier_id(%barrier3A_29)
    %mul3A_30 = arith.constant 5000 : i32
    %mul3A_31 = arith.muli %arg1, %mul3A_30 : i32
    %mul3A_32 = arith.constant 5000 : i32
    %mul3A_33 = arith.muli %arg1, %mul3A_32 : i32
    "tpu.region"() ({
      %run_scoped3A = tpu.sem_alloc : memref<!tpu.dma_semaphore, #tpu.memory_space<semaphore_mem>>
      %dma_start3A = arith.constant 0 : i32
      %dma_start3A_34 = tpu.memref_slice %arg8[%arg0, %mul3A_33, %dma_start3A] : memref<2x80000x16xf32, #tpu.memory_space<hbm>> -> memref<1x5000x16xf32, #tpu.memory_space<hbm>>
      %dma_start3A_35 = tpu.memref_squeeze %dma_start3A_34 : memref<1x5000x16xf32, #tpu.memory_space<hbm>> -> memref<5000x16xf32, #tpu.memory_space<hbm>>
      %dma_start3A_36 = arith.constant 0 : i32
      %dma_start3A_37 = tpu.memref_slice %arg17[%mul3A_31, %dma_start3A_36] : memref<80000x16xf32, #tpu.memory_space<vmem_shared>> -> memref<5000x16xf32, #tpu.memory_space<vmem_shared>>
      tpu.enqueue_dma source(%dma_start3A_37 : memref<5000x16xf32, #tpu.memory_space<vmem_shared>>) target(%dma_start3A_35 : memref<5000x16xf32, #tpu.memory_space<hbm>>) target_semaphore(%run_scoped3A : memref<!tpu.dma_semaphore, #tpu.memory_space<semaphore_mem>>)
      %dma_wait3A = arith.constant 0 : i32
      %dma_wait3A_38 = tpu.memref_slice %arg8[%arg0, %mul3A_33, %dma_wait3A] : memref<2x80000x16xf32, #tpu.memory_space<hbm>> -> memref<1x5000x16xf32, #tpu.memory_space<hbm>>
      %dma_wait3A_39 = tpu.memref_squeeze %dma_wait3A_38 : memref<1x5000x16xf32, #tpu.memory_space<hbm>> -> memref<5000x16xf32, #tpu.memory_space<hbm>>
      %dma_wait3A_40 = arith.constant 0 : i32
      %dma_wait3A_41 = tpu.memref_slice %arg17[%mul3A_31, %dma_wait3A_40] : memref<80000x16xf32, #tpu.memory_space<vmem_shared>> -> memref<5000x16xf32, #tpu.memory_space<vmem_shared>>
      tpu.wait_dma2 semaphore(%run_scoped3A : memref<!tpu.dma_semaphore, #tpu.memory_space<semaphore_mem>>) src(%dma_wait3A_41 : memref<5000x16xf32, #tpu.memory_space<vmem_shared>>) dst(%dma_wait3A_39 : memref<5000x16xf32, #tpu.memory_space<hbm>>)
      tpu.yield
    }) : () -> ()
    return
  }
}

#map = affine_map<(d0, d1) -> (0, 0)>
#map1 = affine_map<(d0, d1) -> (0, 0, 0)>
module attributes {stable_mosaic.version = 14 : i64} {
  func.func @body(%arg0: i32, %arg1: i32, %arg2: memref<80000x16xf32, #tpu.memory_space<hbm>>, %arg3: memref<2560x128xi32, #tpu.memory_space<hbm>>, %arg4: memref<2560x128xi32, #tpu.memory_space<hbm>>, %arg5: memref<2500x16xf32, #tpu.memory_space<hbm>>, %arg6: memref<8x80000x16xf32, #tpu.memory_space<hbm>>, %arg7: memref<512xi32, #tpu.memory_space<vmem>>, %arg8: memref<512xi32, #tpu.memory_space<vmem>>, %arg9: memref<512xi32, #tpu.memory_space<vmem>>, %arg10: memref<160x128xi32, #tpu.memory_space<vmem>>, %arg11: memref<160x128xi32, #tpu.memory_space<vmem>>, %arg12: memref<512x16xf32, #tpu.memory_space<vmem>>, %arg13: memref<80000x16xf32, #tpu.memory_space<vmem_shared>>, %arg14: memref<!tpu.dma_semaphore, #tpu.memory_space<semaphore_mem>>, %arg15: memref<!tpu.dma_semaphore, #tpu.memory_space<semaphore_mem>>) attributes {dimension_semantics = [#tpu.dimension_semantics<core_parallel>, #tpu.dimension_semantics<subcore_parallel>], iteration_bounds = array<i64: 2, 16>, scalar_prefetch = 0 : i64, scratch_operands = 9 : i64, tpu.core_type = #tpu.core_type<sc_vector_subcore>, window_params = [{transform_indices = #map}, {transform_indices = #map}, {transform_indices = #map}, {transform_indices = #map}, {transform_indices = #map1}]} {
    %mul3A = arith.constant 160 : i32
    %mul3A_0 = arith.muli %arg1, %mul3A : i32
    "tpu.region"() ({
      %run_scoped3A = tpu.sem_alloc : memref<!tpu.dma_semaphore, #tpu.memory_space<semaphore_mem>>
      %dma_start3A = arith.constant 0 : i32
      %dma_start3A_8 = tpu.memref_slice %arg3[%mul3A_0, %dma_start3A] : memref<2560x128xi32, #tpu.memory_space<hbm>> -> memref<160x128xi32, #tpu.memory_space<hbm>>
      %dma_start3A_9 = arith.constant 0 : i32
      %dma_start3A_10 = tpu.memref_slice %arg3[%mul3A_0, %dma_start3A_9] : memref<2560x128xi32, #tpu.memory_space<hbm>> -> memref<160x128xi32, #tpu.memory_space<hbm>>
      tpu.enqueue_dma source(%dma_start3A_10 : memref<160x128xi32, #tpu.memory_space<hbm>>) target(%arg10 : memref<160x128xi32, #tpu.memory_space<vmem>>) target_semaphore(%run_scoped3A : memref<!tpu.dma_semaphore, #tpu.memory_space<semaphore_mem>>)
      %dma_wait3A = arith.constant 0 : i32
      %dma_wait3A_11 = tpu.memref_slice %arg3[%mul3A_0, %dma_wait3A] : memref<2560x128xi32, #tpu.memory_space<hbm>> -> memref<160x128xi32, #tpu.memory_space<hbm>>
      %dma_wait3A_12 = arith.constant 0 : i32
      %dma_wait3A_13 = tpu.memref_slice %arg3[%mul3A_0, %dma_wait3A_12] : memref<2560x128xi32, #tpu.memory_space<hbm>> -> memref<160x128xi32, #tpu.memory_space<hbm>>
      tpu.wait_dma2 semaphore(%run_scoped3A : memref<!tpu.dma_semaphore, #tpu.memory_space<semaphore_mem>>) src(%dma_wait3A_13 : memref<160x128xi32, #tpu.memory_space<hbm>>) dst(%arg10 : memref<160x128xi32, #tpu.memory_space<vmem>>)
      tpu.yield
    }) : () -> ()
    %mul3A_1 = arith.constant 160 : i32
    %mul3A_2 = arith.muli %arg1, %mul3A_1 : i32
    "tpu.region"() ({
      %run_scoped3A = tpu.sem_alloc : memref<!tpu.dma_semaphore, #tpu.memory_space<semaphore_mem>>
      %dma_start3A = arith.constant 0 : i32
      %dma_start3A_8 = tpu.memref_slice %arg4[%mul3A_2, %dma_start3A] : memref<2560x128xi32, #tpu.memory_space<hbm>> -> memref<160x128xi32, #tpu.memory_space<hbm>>
      %dma_start3A_9 = arith.constant 0 : i32
      %dma_start3A_10 = tpu.memref_slice %arg4[%mul3A_2, %dma_start3A_9] : memref<2560x128xi32, #tpu.memory_space<hbm>> -> memref<160x128xi32, #tpu.memory_space<hbm>>
      tpu.enqueue_dma source(%dma_start3A_10 : memref<160x128xi32, #tpu.memory_space<hbm>>) target(%arg11 : memref<160x128xi32, #tpu.memory_space<vmem>>) target_semaphore(%run_scoped3A : memref<!tpu.dma_semaphore, #tpu.memory_space<semaphore_mem>>)
      %dma_wait3A = arith.constant 0 : i32
      %dma_wait3A_11 = tpu.memref_slice %arg4[%mul3A_2, %dma_wait3A] : memref<2560x128xi32, #tpu.memory_space<hbm>> -> memref<160x128xi32, #tpu.memory_space<hbm>>
      %dma_wait3A_12 = arith.constant 0 : i32
      %dma_wait3A_13 = tpu.memref_slice %arg4[%mul3A_2, %dma_wait3A_12] : memref<2560x128xi32, #tpu.memory_space<hbm>> -> memref<160x128xi32, #tpu.memory_space<hbm>>
      tpu.wait_dma2 semaphore(%run_scoped3A : memref<!tpu.dma_semaphore, #tpu.memory_space<semaphore_mem>>) src(%dma_wait3A_13 : memref<160x128xi32, #tpu.memory_space<hbm>>) dst(%arg11 : memref<160x128xi32, #tpu.memory_space<vmem>>)
      tpu.yield
    }) : () -> ()
    %scan3A = arith.constant 0 : i32
    %scan3A_3 = arith.constant 0 : i32
    %scan3A_4 = arith.constant 4 : i32
    %scan3A_5 = arith.addi %scan3A_3, %scan3A_4 : i32
    %scan3A_6 = arith.constant 1 : i32
    scf.for %scan3A_8 = %scan3A_3 to %scan3A_5 step %scan3A_6  : i32 {
      %mul3A_9 = arith.constant 4 : i32
      %mul3A_10 = arith.muli %arg0, %mul3A_9 : i32
      %add3A = arith.addi %mul3A_10, %scan3A_8 : i32
      %mul3A_11 = arith.constant 10000 : i32
      %mul3A_12 = arith.muli %add3A, %mul3A_11 : i32
      %barrier3A = arith.constant 0 : index
      tpu.barrier barrier_id(%barrier3A)
      %mul3A_13 = arith.constant 5000 : i32
      %mul3A_14 = arith.muli %arg1, %mul3A_13 : i32
      "tpu.region"() ({
        %run_scoped3A = tpu.sem_alloc : memref<!tpu.dma_semaphore, #tpu.memory_space<semaphore_mem>>
        %dma_start3A = arith.constant 0 : i32
        %dma_start3A_29 = tpu.memref_slice %arg13[%mul3A_14, %dma_start3A] : memref<80000x16xf32, #tpu.memory_space<vmem_shared>> -> memref<2500x16xf32, #tpu.memory_space<vmem_shared>>
        tpu.enqueue_dma source(%arg5 : memref<2500x16xf32, #tpu.memory_space<hbm>>) target(%dma_start3A_29 : memref<2500x16xf32, #tpu.memory_space<vmem_shared>>) target_semaphore(%run_scoped3A : memref<!tpu.dma_semaphore, #tpu.memory_space<semaphore_mem>>)
        %dma_wait3A = arith.constant 0 : i32
        %dma_wait3A_30 = tpu.memref_slice %arg13[%mul3A_14, %dma_wait3A] : memref<80000x16xf32, #tpu.memory_space<vmem_shared>> -> memref<2500x16xf32, #tpu.memory_space<vmem_shared>>
        tpu.wait_dma2 semaphore(%run_scoped3A : memref<!tpu.dma_semaphore, #tpu.memory_space<semaphore_mem>>) src(%arg5 : memref<2500x16xf32, #tpu.memory_space<hbm>>) dst(%dma_wait3A_30 : memref<2500x16xf32, #tpu.memory_space<vmem_shared>>)
        tpu.yield
      }) : () -> ()
      %add3A_15 = arith.constant 2500 : i32
      %add3A_16 = arith.addi %mul3A_14, %add3A_15 : i32
      "tpu.region"() ({
        %run_scoped3A = tpu.sem_alloc : memref<!tpu.dma_semaphore, #tpu.memory_space<semaphore_mem>>
        %dma_start3A = arith.constant 0 : i32
        %dma_start3A_29 = tpu.memref_slice %arg13[%add3A_16, %dma_start3A] : memref<80000x16xf32, #tpu.memory_space<vmem_shared>> -> memref<2500x16xf32, #tpu.memory_space<vmem_shared>>
        tpu.enqueue_dma source(%arg5 : memref<2500x16xf32, #tpu.memory_space<hbm>>) target(%dma_start3A_29 : memref<2500x16xf32, #tpu.memory_space<vmem_shared>>) target_semaphore(%run_scoped3A : memref<!tpu.dma_semaphore, #tpu.memory_space<semaphore_mem>>)
        %dma_wait3A = arith.constant 0 : i32
        %dma_wait3A_30 = tpu.memref_slice %arg13[%add3A_16, %dma_wait3A] : memref<80000x16xf32, #tpu.memory_space<vmem_shared>> -> memref<2500x16xf32, #tpu.memory_space<vmem_shared>>
        tpu.wait_dma2 semaphore(%run_scoped3A : memref<!tpu.dma_semaphore, #tpu.memory_space<semaphore_mem>>) src(%arg5 : memref<2500x16xf32, #tpu.memory_space<hbm>>) dst(%dma_wait3A_30 : memref<2500x16xf32, #tpu.memory_space<vmem_shared>>)
        tpu.yield
      }) : () -> ()
      %barrier3A_17 = arith.constant 0 : index
      tpu.barrier barrier_id(%barrier3A_17)
      %scan3A_18 = arith.constant 0 : i32
      %scan3A_19 = arith.constant 0 : i32
      %scan3A_20 = arith.constant 40 : i32
      %scan3A_21 = arith.addi %scan3A_19, %scan3A_20 : i32
      %scan3A_22 = arith.constant 1 : i32
      scf.for %scan3A_29 = %scan3A_19 to %scan3A_21 step %scan3A_22  : i32 {
        %mul3A_30 = arith.constant 4 : i32
        %mul3A_31 = arith.muli %scan3A_29, %mul3A_30 : i32
        %add3A_32 = arith.constant 0 : i32
        %add3A_33 = arith.addi %mul3A_31, %add3A_32 : i32
        %dma_start3A = arith.constant 0 : i32
        %dma_start3A_34 = arith.constant 0 : i32
        %dma_start3A_35 = tpu.memref_slice %arg12[%dma_start3A, %dma_start3A_34] : memref<512x16xf32, #tpu.memory_space<vmem>> -> memref<128x16xf32, #tpu.memory_space<vmem>>
        %dma_start3A_36 = arith.constant 0 : i32
        %dma_start3A_37 = tpu.memref_slice %arg10[%add3A_33, %dma_start3A_36] : memref<160x128xi32, #tpu.memory_space<vmem>> -> memref<1x128xi32, #tpu.memory_space<vmem>>
        %dma_start3A_38 = tpu.memref_squeeze %dma_start3A_37 : memref<1x128xi32, #tpu.memory_space<vmem>> -> memref<128xi32, #tpu.memory_space<vmem>>
        %dma_start3A_39 = arith.constant 0 : i32
        %dma_start3A_40 = tpu.memref_slice %arg2[%mul3A_12, %dma_start3A_39] : memref<80000x16xf32, #tpu.memory_space<hbm>> -> memref<10000x16xf32, #tpu.memory_space<hbm>>
        %dma_start3A_41 = arith.constant 0 : i32
        %dma_start3A_42 = arith.constant 0 : i32
        %dma_start3A_43 = tpu.memref_slice %dma_start3A_40[%dma_start3A_41, %dma_start3A_42] : memref<10000x16xf32, #tpu.memory_space<hbm>> -> memref<10000x16xf32, #tpu.memory_space<hbm>>
        %dma_start3A_44 = arith.constant -1 : i32
        tpu.enqueue_indirect_dma source(%dma_start3A_43 : memref<10000x16xf32, #tpu.memory_space<hbm>>) target(%dma_start3A_35 : memref<128x16xf32, #tpu.memory_space<vmem>>) offsets(%dma_start3A_38 : memref<128xi32, #tpu.memory_space<vmem>>) offset_filter(%dma_start3A_44) semaphore(%arg14 : memref<!tpu.dma_semaphore, #tpu.memory_space<semaphore_mem>>)
        %add3A_45 = arith.constant 1 : i32
        %add3A_46 = arith.addi %mul3A_31, %add3A_45 : i32
        %dma_start3A_47 = arith.constant 128 : i32
        %dma_start3A_48 = arith.constant 0 : i32
        %dma_start3A_49 = tpu.memref_slice %arg12[%dma_start3A_47, %dma_start3A_48] : memref<512x16xf32, #tpu.memory_space<vmem>> -> memref<128x16xf32, #tpu.memory_space<vmem>>
        %dma_start3A_50 = arith.constant 0 : i32
        %dma_start3A_51 = tpu.memref_slice %arg10[%add3A_46, %dma_start3A_50] : memref<160x128xi32, #tpu.memory_space<vmem>> -> memref<1x128xi32, #tpu.memory_space<vmem>>
        %dma_start3A_52 = tpu.memref_squeeze %dma_start3A_51 : memref<1x128xi32, #tpu.memory_space<vmem>> -> memref<128xi32, #tpu.memory_space<vmem>>
        %dma_start3A_53 = arith.constant 0 : i32
        %dma_start3A_54 = tpu.memref_slice %arg2[%mul3A_12, %dma_start3A_53] : memref<80000x16xf32, #tpu.memory_space<hbm>> -> memref<10000x16xf32, #tpu.memory_space<hbm>>
        %dma_start3A_55 = arith.constant 0 : i32
        %dma_start3A_56 = arith.constant 0 : i32
        %dma_start3A_57 = tpu.memref_slice %dma_start3A_54[%dma_start3A_55, %dma_start3A_56] : memref<10000x16xf32, #tpu.memory_space<hbm>> -> memref<10000x16xf32, #tpu.memory_space<hbm>>
        %dma_start3A_58 = arith.constant -1 : i32
        tpu.enqueue_indirect_dma source(%dma_start3A_57 : memref<10000x16xf32, #tpu.memory_space<hbm>>) target(%dma_start3A_49 : memref<128x16xf32, #tpu.memory_space<vmem>>) offsets(%dma_start3A_52 : memref<128xi32, #tpu.memory_space<vmem>>) offset_filter(%dma_start3A_58) semaphore(%arg14 : memref<!tpu.dma_semaphore, #tpu.memory_space<semaphore_mem>>)
        %add3A_59 = arith.constant 2 : i32
        %add3A_60 = arith.addi %mul3A_31, %add3A_59 : i32
        %dma_start3A_61 = arith.constant 256 : i32
        %dma_start3A_62 = arith.constant 0 : i32
        %dma_start3A_63 = tpu.memref_slice %arg12[%dma_start3A_61, %dma_start3A_62] : memref<512x16xf32, #tpu.memory_space<vmem>> -> memref<128x16xf32, #tpu.memory_space<vmem>>
        %dma_start3A_64 = arith.constant 0 : i32
        %dma_start3A_65 = tpu.memref_slice %arg10[%add3A_60, %dma_start3A_64] : memref<160x128xi32, #tpu.memory_space<vmem>> -> memref<1x128xi32, #tpu.memory_space<vmem>>
        %dma_start3A_66 = tpu.memref_squeeze %dma_start3A_65 : memref<1x128xi32, #tpu.memory_space<vmem>> -> memref<128xi32, #tpu.memory_space<vmem>>
        %dma_start3A_67 = arith.constant 0 : i32
        %dma_start3A_68 = tpu.memref_slice %arg2[%mul3A_12, %dma_start3A_67] : memref<80000x16xf32, #tpu.memory_space<hbm>> -> memref<10000x16xf32, #tpu.memory_space<hbm>>
        %dma_start3A_69 = arith.constant 0 : i32
        %dma_start3A_70 = arith.constant 0 : i32
        %dma_start3A_71 = tpu.memref_slice %dma_start3A_68[%dma_start3A_69, %dma_start3A_70] : memref<10000x16xf32, #tpu.memory_space<hbm>> -> memref<10000x16xf32, #tpu.memory_space<hbm>>
        %dma_start3A_72 = arith.constant -1 : i32
        tpu.enqueue_indirect_dma source(%dma_start3A_71 : memref<10000x16xf32, #tpu.memory_space<hbm>>) target(%dma_start3A_63 : memref<128x16xf32, #tpu.memory_space<vmem>>) offsets(%dma_start3A_66 : memref<128xi32, #tpu.memory_space<vmem>>) offset_filter(%dma_start3A_72) semaphore(%arg14 : memref<!tpu.dma_semaphore, #tpu.memory_space<semaphore_mem>>)
        %add3A_73 = arith.constant 3 : i32
        %add3A_74 = arith.addi %mul3A_31, %add3A_73 : i32
        %dma_start3A_75 = arith.constant 384 : i32
        %dma_start3A_76 = arith.constant 0 : i32
        %dma_start3A_77 = tpu.memref_slice %arg12[%dma_start3A_75, %dma_start3A_76] : memref<512x16xf32, #tpu.memory_space<vmem>> -> memref<128x16xf32, #tpu.memory_space<vmem>>
        %dma_start3A_78 = arith.constant 0 : i32
        %dma_start3A_79 = tpu.memref_slice %arg10[%add3A_74, %dma_start3A_78] : memref<160x128xi32, #tpu.memory_space<vmem>> -> memref<1x128xi32, #tpu.memory_space<vmem>>
        %dma_start3A_80 = tpu.memref_squeeze %dma_start3A_79 : memref<1x128xi32, #tpu.memory_space<vmem>> -> memref<128xi32, #tpu.memory_space<vmem>>
        %dma_start3A_81 = arith.constant 0 : i32
        %dma_start3A_82 = tpu.memref_slice %arg2[%mul3A_12, %dma_start3A_81] : memref<80000x16xf32, #tpu.memory_space<hbm>> -> memref<10000x16xf32, #tpu.memory_space<hbm>>
        %dma_start3A_83 = arith.constant 0 : i32
        %dma_start3A_84 = arith.constant 0 : i32
        %dma_start3A_85 = tpu.memref_slice %dma_start3A_82[%dma_start3A_83, %dma_start3A_84] : memref<10000x16xf32, #tpu.memory_space<hbm>> -> memref<10000x16xf32, #tpu.memory_space<hbm>>
        %dma_start3A_86 = arith.constant -1 : i32
        tpu.enqueue_indirect_dma source(%dma_start3A_85 : memref<10000x16xf32, #tpu.memory_space<hbm>>) target(%dma_start3A_77 : memref<128x16xf32, #tpu.memory_space<vmem>>) offsets(%dma_start3A_80 : memref<128xi32, #tpu.memory_space<vmem>>) offset_filter(%dma_start3A_86) semaphore(%arg14 : memref<!tpu.dma_semaphore, #tpu.memory_space<semaphore_mem>>)
        %dma_wait3A = arith.constant 0 : i32
        %dma_wait3A_87 = arith.constant 0 : i32
        %dma_wait3A_88 = tpu.memref_slice %arg12[%dma_wait3A, %dma_wait3A_87] : memref<512x16xf32, #tpu.memory_space<vmem>> -> memref<128x16xf32, #tpu.memory_space<vmem>>
        %dma_wait3A_89 = arith.constant 0 : i32
        %dma_wait3A_90 = tpu.memref_slice %arg10[%add3A_33, %dma_wait3A_89] : memref<160x128xi32, #tpu.memory_space<vmem>> -> memref<1x128xi32, #tpu.memory_space<vmem>>
        %dma_wait3A_91 = tpu.memref_squeeze %dma_wait3A_90 : memref<1x128xi32, #tpu.memory_space<vmem>> -> memref<128xi32, #tpu.memory_space<vmem>>
        %dma_wait3A_92 = arith.constant 0 : i32
        %dma_wait3A_93 = tpu.memref_slice %arg2[%mul3A_12, %dma_wait3A_92] : memref<80000x16xf32, #tpu.memory_space<hbm>> -> memref<10000x16xf32, #tpu.memory_space<hbm>>
        %dma_wait3A_94 = arith.constant 0 : i32
        %dma_wait3A_95 = arith.constant 0 : i32
        %dma_wait3A_96 = tpu.memref_slice %dma_wait3A_93[%dma_wait3A_94, %dma_wait3A_95] : memref<10000x16xf32, #tpu.memory_space<hbm>> -> memref<10000x16xf32, #tpu.memory_space<hbm>>
        tpu.wait_indirect_dma semaphore(%arg14 : memref<!tpu.dma_semaphore, #tpu.memory_space<semaphore_mem>>) src(%dma_wait3A_96 : memref<10000x16xf32, #tpu.memory_space<hbm>>) dst(%dma_wait3A_88 : memref<128x16xf32, #tpu.memory_space<vmem>>)
        %add3A_97 = arith.constant 0 : i32
        %add3A_98 = arith.addi %mul3A_31, %add3A_97 : i32
        %dma_start3A_99 = arith.constant 0 : i32
        %dma_start3A_100 = arith.constant 0 : i32
        %dma_start3A_101 = tpu.memref_slice %arg12[%dma_start3A_99, %dma_start3A_100] : memref<512x16xf32, #tpu.memory_space<vmem>> -> memref<128x16xf32, #tpu.memory_space<vmem>>
        %dma_start3A_102 = arith.constant 0 : i32
        %dma_start3A_103 = tpu.memref_slice %arg11[%add3A_98, %dma_start3A_102] : memref<160x128xi32, #tpu.memory_space<vmem>> -> memref<1x128xi32, #tpu.memory_space<vmem>>
        %dma_start3A_104 = tpu.memref_squeeze %dma_start3A_103 : memref<1x128xi32, #tpu.memory_space<vmem>> -> memref<128xi32, #tpu.memory_space<vmem>>
        %dma_start3A_105 = arith.constant 0 : i32
        %dma_start3A_106 = arith.constant 0 : i32
        %dma_start3A_107 = tpu.memref_slice %arg13[%dma_start3A_105, %dma_start3A_106] : memref<80000x16xf32, #tpu.memory_space<vmem_shared>> -> memref<80000x16xf32, #tpu.memory_space<vmem_shared>>
        %dma_start3A_108 = arith.constant -1 : i32
        tpu.enqueue_indirect_dma source(%dma_start3A_101 : memref<128x16xf32, #tpu.memory_space<vmem>>) target(%dma_start3A_107 : memref<80000x16xf32, #tpu.memory_space<vmem_shared>>) offsets(%dma_start3A_104 : memref<128xi32, #tpu.memory_space<vmem>>) offset_filter(%dma_start3A_108) semaphore(%arg15 : memref<!tpu.dma_semaphore, #tpu.memory_space<semaphore_mem>>) {add = true}
        %dma_wait3A_109 = arith.constant 128 : i32
        %dma_wait3A_110 = arith.constant 0 : i32
        %dma_wait3A_111 = tpu.memref_slice %arg12[%dma_wait3A_109, %dma_wait3A_110] : memref<512x16xf32, #tpu.memory_space<vmem>> -> memref<128x16xf32, #tpu.memory_space<vmem>>
        %dma_wait3A_112 = arith.constant 0 : i32
        %dma_wait3A_113 = tpu.memref_slice %arg10[%add3A_46, %dma_wait3A_112] : memref<160x128xi32, #tpu.memory_space<vmem>> -> memref<1x128xi32, #tpu.memory_space<vmem>>
        %dma_wait3A_114 = tpu.memref_squeeze %dma_wait3A_113 : memref<1x128xi32, #tpu.memory_space<vmem>> -> memref<128xi32, #tpu.memory_space<vmem>>
        %dma_wait3A_115 = arith.constant 0 : i32
        %dma_wait3A_116 = tpu.memref_slice %arg2[%mul3A_12, %dma_wait3A_115] : memref<80000x16xf32, #tpu.memory_space<hbm>> -> memref<10000x16xf32, #tpu.memory_space<hbm>>
        %dma_wait3A_117 = arith.constant 0 : i32
        %dma_wait3A_118 = arith.constant 0 : i32
        %dma_wait3A_119 = tpu.memref_slice %dma_wait3A_116[%dma_wait3A_117, %dma_wait3A_118] : memref<10000x16xf32, #tpu.memory_space<hbm>> -> memref<10000x16xf32, #tpu.memory_space<hbm>>
        tpu.wait_indirect_dma semaphore(%arg14 : memref<!tpu.dma_semaphore, #tpu.memory_space<semaphore_mem>>) src(%dma_wait3A_119 : memref<10000x16xf32, #tpu.memory_space<hbm>>) dst(%dma_wait3A_111 : memref<128x16xf32, #tpu.memory_space<vmem>>)
        %add3A_120 = arith.constant 1 : i32
        %add3A_121 = arith.addi %mul3A_31, %add3A_120 : i32
        %dma_start3A_122 = arith.constant 128 : i32
        %dma_start3A_123 = arith.constant 0 : i32
        %dma_start3A_124 = tpu.memref_slice %arg12[%dma_start3A_122, %dma_start3A_123] : memref<512x16xf32, #tpu.memory_space<vmem>> -> memref<128x16xf32, #tpu.memory_space<vmem>>
        %dma_start3A_125 = arith.constant 0 : i32
        %dma_start3A_126 = tpu.memref_slice %arg11[%add3A_121, %dma_start3A_125] : memref<160x128xi32, #tpu.memory_space<vmem>> -> memref<1x128xi32, #tpu.memory_space<vmem>>
        %dma_start3A_127 = tpu.memref_squeeze %dma_start3A_126 : memref<1x128xi32, #tpu.memory_space<vmem>> -> memref<128xi32, #tpu.memory_space<vmem>>
        %dma_start3A_128 = arith.constant 0 : i32
        %dma_start3A_129 = arith.constant 0 : i32
        %dma_start3A_130 = tpu.memref_slice %arg13[%dma_start3A_128, %dma_start3A_129] : memref<80000x16xf32, #tpu.memory_space<vmem_shared>> -> memref<80000x16xf32, #tpu.memory_space<vmem_shared>>
        %dma_start3A_131 = arith.constant -1 : i32
        tpu.enqueue_indirect_dma source(%dma_start3A_124 : memref<128x16xf32, #tpu.memory_space<vmem>>) target(%dma_start3A_130 : memref<80000x16xf32, #tpu.memory_space<vmem_shared>>) offsets(%dma_start3A_127 : memref<128xi32, #tpu.memory_space<vmem>>) offset_filter(%dma_start3A_131) semaphore(%arg15 : memref<!tpu.dma_semaphore, #tpu.memory_space<semaphore_mem>>) {add = true}
        %dma_wait3A_132 = arith.constant 256 : i32
        %dma_wait3A_133 = arith.constant 0 : i32
        %dma_wait3A_134 = tpu.memref_slice %arg12[%dma_wait3A_132, %dma_wait3A_133] : memref<512x16xf32, #tpu.memory_space<vmem>> -> memref<128x16xf32, #tpu.memory_space<vmem>>
        %dma_wait3A_135 = arith.constant 0 : i32
        %dma_wait3A_136 = tpu.memref_slice %arg10[%add3A_60, %dma_wait3A_135] : memref<160x128xi32, #tpu.memory_space<vmem>> -> memref<1x128xi32, #tpu.memory_space<vmem>>
        %dma_wait3A_137 = tpu.memref_squeeze %dma_wait3A_136 : memref<1x128xi32, #tpu.memory_space<vmem>> -> memref<128xi32, #tpu.memory_space<vmem>>
        %dma_wait3A_138 = arith.constant 0 : i32
        %dma_wait3A_139 = tpu.memref_slice %arg2[%mul3A_12, %dma_wait3A_138] : memref<80000x16xf32, #tpu.memory_space<hbm>> -> memref<10000x16xf32, #tpu.memory_space<hbm>>
        %dma_wait3A_140 = arith.constant 0 : i32
        %dma_wait3A_141 = arith.constant 0 : i32
        %dma_wait3A_142 = tpu.memref_slice %dma_wait3A_139[%dma_wait3A_140, %dma_wait3A_141] : memref<10000x16xf32, #tpu.memory_space<hbm>> -> memref<10000x16xf32, #tpu.memory_space<hbm>>
        tpu.wait_indirect_dma semaphore(%arg14 : memref<!tpu.dma_semaphore, #tpu.memory_space<semaphore_mem>>) src(%dma_wait3A_142 : memref<10000x16xf32, #tpu.memory_space<hbm>>) dst(%dma_wait3A_134 : memref<128x16xf32, #tpu.memory_space<vmem>>)
        %add3A_143 = arith.constant 2 : i32
        %add3A_144 = arith.addi %mul3A_31, %add3A_143 : i32
        %dma_start3A_145 = arith.constant 256 : i32
        %dma_start3A_146 = arith.constant 0 : i32
        %dma_start3A_147 = tpu.memref_slice %arg12[%dma_start3A_145, %dma_start3A_146] : memref<512x16xf32, #tpu.memory_space<vmem>> -> memref<128x16xf32, #tpu.memory_space<vmem>>
        %dma_start3A_148 = arith.constant 0 : i32
        %dma_start3A_149 = tpu.memref_slice %arg11[%add3A_144, %dma_start3A_148] : memref<160x128xi32, #tpu.memory_space<vmem>> -> memref<1x128xi32, #tpu.memory_space<vmem>>
        %dma_start3A_150 = tpu.memref_squeeze %dma_start3A_149 : memref<1x128xi32, #tpu.memory_space<vmem>> -> memref<128xi32, #tpu.memory_space<vmem>>
        %dma_start3A_151 = arith.constant 0 : i32
        %dma_start3A_152 = arith.constant 0 : i32
        %dma_start3A_153 = tpu.memref_slice %arg13[%dma_start3A_151, %dma_start3A_152] : memref<80000x16xf32, #tpu.memory_space<vmem_shared>> -> memref<80000x16xf32, #tpu.memory_space<vmem_shared>>
        %dma_start3A_154 = arith.constant -1 : i32
        tpu.enqueue_indirect_dma source(%dma_start3A_147 : memref<128x16xf32, #tpu.memory_space<vmem>>) target(%dma_start3A_153 : memref<80000x16xf32, #tpu.memory_space<vmem_shared>>) offsets(%dma_start3A_150 : memref<128xi32, #tpu.memory_space<vmem>>) offset_filter(%dma_start3A_154) semaphore(%arg15 : memref<!tpu.dma_semaphore, #tpu.memory_space<semaphore_mem>>) {add = true}
        %dma_wait3A_155 = arith.constant 384 : i32
        %dma_wait3A_156 = arith.constant 0 : i32
        %dma_wait3A_157 = tpu.memref_slice %arg12[%dma_wait3A_155, %dma_wait3A_156] : memref<512x16xf32, #tpu.memory_space<vmem>> -> memref<128x16xf32, #tpu.memory_space<vmem>>
        %dma_wait3A_158 = arith.constant 0 : i32
        %dma_wait3A_159 = tpu.memref_slice %arg10[%add3A_74, %dma_wait3A_158] : memref<160x128xi32, #tpu.memory_space<vmem>> -> memref<1x128xi32, #tpu.memory_space<vmem>>
        %dma_wait3A_160 = tpu.memref_squeeze %dma_wait3A_159 : memref<1x128xi32, #tpu.memory_space<vmem>> -> memref<128xi32, #tpu.memory_space<vmem>>
        %dma_wait3A_161 = arith.constant 0 : i32
        %dma_wait3A_162 = tpu.memref_slice %arg2[%mul3A_12, %dma_wait3A_161] : memref<80000x16xf32, #tpu.memory_space<hbm>> -> memref<10000x16xf32, #tpu.memory_space<hbm>>
        %dma_wait3A_163 = arith.constant 0 : i32
        %dma_wait3A_164 = arith.constant 0 : i32
        %dma_wait3A_165 = tpu.memref_slice %dma_wait3A_162[%dma_wait3A_163, %dma_wait3A_164] : memref<10000x16xf32, #tpu.memory_space<hbm>> -> memref<10000x16xf32, #tpu.memory_space<hbm>>
        tpu.wait_indirect_dma semaphore(%arg14 : memref<!tpu.dma_semaphore, #tpu.memory_space<semaphore_mem>>) src(%dma_wait3A_165 : memref<10000x16xf32, #tpu.memory_space<hbm>>) dst(%dma_wait3A_157 : memref<128x16xf32, #tpu.memory_space<vmem>>)
        %add3A_166 = arith.constant 3 : i32
        %add3A_167 = arith.addi %mul3A_31, %add3A_166 : i32
        %dma_start3A_168 = arith.constant 384 : i32
        %dma_start3A_169 = arith.constant 0 : i32
        %dma_start3A_170 = tpu.memref_slice %arg12[%dma_start3A_168, %dma_start3A_169] : memref<512x16xf32, #tpu.memory_space<vmem>> -> memref<128x16xf32, #tpu.memory_space<vmem>>
        %dma_start3A_171 = arith.constant 0 : i32
        %dma_start3A_172 = tpu.memref_slice %arg11[%add3A_167, %dma_start3A_171] : memref<160x128xi32, #tpu.memory_space<vmem>> -> memref<1x128xi32, #tpu.memory_space<vmem>>
        %dma_start3A_173 = tpu.memref_squeeze %dma_start3A_172 : memref<1x128xi32, #tpu.memory_space<vmem>> -> memref<128xi32, #tpu.memory_space<vmem>>
        %dma_start3A_174 = arith.constant 0 : i32
        %dma_start3A_175 = arith.constant 0 : i32
        %dma_start3A_176 = tpu.memref_slice %arg13[%dma_start3A_174, %dma_start3A_175] : memref<80000x16xf32, #tpu.memory_space<vmem_shared>> -> memref<80000x16xf32, #tpu.memory_space<vmem_shared>>
        %dma_start3A_177 = arith.constant -1 : i32
        tpu.enqueue_indirect_dma source(%dma_start3A_170 : memref<128x16xf32, #tpu.memory_space<vmem>>) target(%dma_start3A_176 : memref<80000x16xf32, #tpu.memory_space<vmem_shared>>) offsets(%dma_start3A_173 : memref<128xi32, #tpu.memory_space<vmem>>) offset_filter(%dma_start3A_177) semaphore(%arg15 : memref<!tpu.dma_semaphore, #tpu.memory_space<semaphore_mem>>) {add = true}
        %dma_wait3A_178 = arith.constant 0 : i32
        %dma_wait3A_179 = arith.constant 0 : i32
        %dma_wait3A_180 = tpu.memref_slice %arg12[%dma_wait3A_178, %dma_wait3A_179] : memref<512x16xf32, #tpu.memory_space<vmem>> -> memref<128x16xf32, #tpu.memory_space<vmem>>
        %dma_wait3A_181 = arith.constant 0 : i32
        %dma_wait3A_182 = tpu.memref_slice %arg11[%add3A_98, %dma_wait3A_181] : memref<160x128xi32, #tpu.memory_space<vmem>> -> memref<1x128xi32, #tpu.memory_space<vmem>>
        %dma_wait3A_183 = tpu.memref_squeeze %dma_wait3A_182 : memref<1x128xi32, #tpu.memory_space<vmem>> -> memref<128xi32, #tpu.memory_space<vmem>>
        %dma_wait3A_184 = arith.constant 0 : i32
        %dma_wait3A_185 = arith.constant 0 : i32
        %dma_wait3A_186 = tpu.memref_slice %arg13[%dma_wait3A_184, %dma_wait3A_185] : memref<80000x16xf32, #tpu.memory_space<vmem_shared>> -> memref<80000x16xf32, #tpu.memory_space<vmem_shared>>
        tpu.wait_indirect_dma semaphore(%arg15 : memref<!tpu.dma_semaphore, #tpu.memory_space<semaphore_mem>>) src(%dma_wait3A_180 : memref<128x16xf32, #tpu.memory_space<vmem>>) dst(%dma_wait3A_186 : memref<80000x16xf32, #tpu.memory_space<vmem_shared>>)
        %dma_wait3A_187 = arith.constant 128 : i32
        %dma_wait3A_188 = arith.constant 0 : i32
        %dma_wait3A_189 = tpu.memref_slice %arg12[%dma_wait3A_187, %dma_wait3A_188] : memref<512x16xf32, #tpu.memory_space<vmem>> -> memref<128x16xf32, #tpu.memory_space<vmem>>
        %dma_wait3A_190 = arith.constant 0 : i32
        %dma_wait3A_191 = tpu.memref_slice %arg11[%add3A_121, %dma_wait3A_190] : memref<160x128xi32, #tpu.memory_space<vmem>> -> memref<1x128xi32, #tpu.memory_space<vmem>>
        %dma_wait3A_192 = tpu.memref_squeeze %dma_wait3A_191 : memref<1x128xi32, #tpu.memory_space<vmem>> -> memref<128xi32, #tpu.memory_space<vmem>>
        %dma_wait3A_193 = arith.constant 0 : i32
        %dma_wait3A_194 = arith.constant 0 : i32
        %dma_wait3A_195 = tpu.memref_slice %arg13[%dma_wait3A_193, %dma_wait3A_194] : memref<80000x16xf32, #tpu.memory_space<vmem_shared>> -> memref<80000x16xf32, #tpu.memory_space<vmem_shared>>
        tpu.wait_indirect_dma semaphore(%arg15 : memref<!tpu.dma_semaphore, #tpu.memory_space<semaphore_mem>>) src(%dma_wait3A_189 : memref<128x16xf32, #tpu.memory_space<vmem>>) dst(%dma_wait3A_195 : memref<80000x16xf32, #tpu.memory_space<vmem_shared>>)
        %dma_wait3A_196 = arith.constant 256 : i32
        %dma_wait3A_197 = arith.constant 0 : i32
        %dma_wait3A_198 = tpu.memref_slice %arg12[%dma_wait3A_196, %dma_wait3A_197] : memref<512x16xf32, #tpu.memory_space<vmem>> -> memref<128x16xf32, #tpu.memory_space<vmem>>
        %dma_wait3A_199 = arith.constant 0 : i32
        %dma_wait3A_200 = tpu.memref_slice %arg11[%add3A_144, %dma_wait3A_199] : memref<160x128xi32, #tpu.memory_space<vmem>> -> memref<1x128xi32, #tpu.memory_space<vmem>>
        %dma_wait3A_201 = tpu.memref_squeeze %dma_wait3A_200 : memref<1x128xi32, #tpu.memory_space<vmem>> -> memref<128xi32, #tpu.memory_space<vmem>>
        %dma_wait3A_202 = arith.constant 0 : i32
        %dma_wait3A_203 = arith.constant 0 : i32
        %dma_wait3A_204 = tpu.memref_slice %arg13[%dma_wait3A_202, %dma_wait3A_203] : memref<80000x16xf32, #tpu.memory_space<vmem_shared>> -> memref<80000x16xf32, #tpu.memory_space<vmem_shared>>
        tpu.wait_indirect_dma semaphore(%arg15 : memref<!tpu.dma_semaphore, #tpu.memory_space<semaphore_mem>>) src(%dma_wait3A_198 : memref<128x16xf32, #tpu.memory_space<vmem>>) dst(%dma_wait3A_204 : memref<80000x16xf32, #tpu.memory_space<vmem_shared>>)
        %dma_wait3A_205 = arith.constant 384 : i32
        %dma_wait3A_206 = arith.constant 0 : i32
        %dma_wait3A_207 = tpu.memref_slice %arg12[%dma_wait3A_205, %dma_wait3A_206] : memref<512x16xf32, #tpu.memory_space<vmem>> -> memref<128x16xf32, #tpu.memory_space<vmem>>
        %dma_wait3A_208 = arith.constant 0 : i32
        %dma_wait3A_209 = tpu.memref_slice %arg11[%add3A_167, %dma_wait3A_208] : memref<160x128xi32, #tpu.memory_space<vmem>> -> memref<1x128xi32, #tpu.memory_space<vmem>>
        %dma_wait3A_210 = tpu.memref_squeeze %dma_wait3A_209 : memref<1x128xi32, #tpu.memory_space<vmem>> -> memref<128xi32, #tpu.memory_space<vmem>>
        %dma_wait3A_211 = arith.constant 0 : i32
        %dma_wait3A_212 = arith.constant 0 : i32
        %dma_wait3A_213 = tpu.memref_slice %arg13[%dma_wait3A_211, %dma_wait3A_212] : memref<80000x16xf32, #tpu.memory_space<vmem_shared>> -> memref<80000x16xf32, #tpu.memory_space<vmem_shared>>
        tpu.wait_indirect_dma semaphore(%arg15 : memref<!tpu.dma_semaphore, #tpu.memory_space<semaphore_mem>>) src(%dma_wait3A_207 : memref<128x16xf32, #tpu.memory_space<vmem>>) dst(%dma_wait3A_213 : memref<80000x16xf32, #tpu.memory_space<vmem_shared>>)
      }
      %scan3A_23 = arith.constant 40 : i32
      %barrier3A_24 = arith.constant 0 : index
      tpu.barrier barrier_id(%barrier3A_24)
      %mul3A_25 = arith.constant 5000 : i32
      %mul3A_26 = arith.muli %arg1, %mul3A_25 : i32
      %mul3A_27 = arith.constant 5000 : i32
      %mul3A_28 = arith.muli %arg1, %mul3A_27 : i32
      "tpu.region"() ({
        %run_scoped3A = tpu.sem_alloc : memref<!tpu.dma_semaphore, #tpu.memory_space<semaphore_mem>>
        %dma_start3A = arith.constant 0 : i32
        %dma_start3A_29 = tpu.memref_slice %arg6[%add3A, %mul3A_28, %dma_start3A] : memref<8x80000x16xf32, #tpu.memory_space<hbm>> -> memref<1x5000x16xf32, #tpu.memory_space<hbm>>
        %dma_start3A_30 = tpu.memref_squeeze %dma_start3A_29 : memref<1x5000x16xf32, #tpu.memory_space<hbm>> -> memref<5000x16xf32, #tpu.memory_space<hbm>>
        %dma_start3A_31 = arith.constant 0 : i32
        %dma_start3A_32 = tpu.memref_slice %arg13[%mul3A_26, %dma_start3A_31] : memref<80000x16xf32, #tpu.memory_space<vmem_shared>> -> memref<5000x16xf32, #tpu.memory_space<vmem_shared>>
        tpu.enqueue_dma source(%dma_start3A_32 : memref<5000x16xf32, #tpu.memory_space<vmem_shared>>) target(%dma_start3A_30 : memref<5000x16xf32, #tpu.memory_space<hbm>>) target_semaphore(%run_scoped3A : memref<!tpu.dma_semaphore, #tpu.memory_space<semaphore_mem>>)
        %dma_wait3A = arith.constant 0 : i32
        %dma_wait3A_33 = tpu.memref_slice %arg6[%add3A, %mul3A_28, %dma_wait3A] : memref<8x80000x16xf32, #tpu.memory_space<hbm>> -> memref<1x5000x16xf32, #tpu.memory_space<hbm>>
        %dma_wait3A_34 = tpu.memref_squeeze %dma_wait3A_33 : memref<1x5000x16xf32, #tpu.memory_space<hbm>> -> memref<5000x16xf32, #tpu.memory_space<hbm>>
        %dma_wait3A_35 = arith.constant 0 : i32
        %dma_wait3A_36 = tpu.memref_slice %arg13[%mul3A_26, %dma_wait3A_35] : memref<80000x16xf32, #tpu.memory_space<vmem_shared>> -> memref<5000x16xf32, #tpu.memory_space<vmem_shared>>
        tpu.wait_dma2 semaphore(%run_scoped3A : memref<!tpu.dma_semaphore, #tpu.memory_space<semaphore_mem>>) src(%dma_wait3A_36 : memref<5000x16xf32, #tpu.memory_space<vmem_shared>>) dst(%dma_wait3A_34 : memref<5000x16xf32, #tpu.memory_space<hbm>>)
        tpu.yield
      }) : () -> ()
    }
    %scan3A_7 = arith.constant 4 : i32
    return
  }
}

module attributes {stable_mosaic.version = 14 : i64} {
  func.func @tc_body(%arg0: i32, %arg1: memref<1000x128xf32, #tpu.memory_space<vmem>>, %arg2: memref<8x1000x128xf32, #tpu.memory_space<vmem>>, %arg3: memref<2x1000x128xf32, #tpu.memory_space<vmem>>, %arg4: memref<128x128xf32, #tpu.memory_space<vmem>>, %arg5: memref<8x128x128xf32, #tpu.memory_space<vmem>>, %arg6: memref<1x128xf32, #tpu.memory_space<vmem>>, %arg7: memref<1000x128xf32, #tpu.memory_space<vmem>>) attributes {dimension_semantics = [#tpu.dimension_semantics<arbitrary>], iteration_bounds = array<i64: 10>, scalar_prefetch = 0 : i64, scratch_operands = 0 : i64, tpu.core_type = #tpu.core_type<tc>, window_params = [{transform_indices = @transform_0, window_bounds = array<i64: 1000, 128>}, {transform_indices = @transform_1, window_bounds = array<i64: 8, 1000, 128>}, {transform_indices = @transform_2, window_bounds = array<i64: 2, 1000, 128>}, {pipeline_mode = #tpu.pipeline_mode<synchronous>, transform_indices = @transform_3, window_bounds = array<i64: 128, 128>}, {pipeline_mode = #tpu.pipeline_mode<synchronous>, transform_indices = @transform_4, window_bounds = array<i64: 8, 128, 128>}, {pipeline_mode = #tpu.pipeline_mode<synchronous>, transform_indices = @transform_5, window_bounds = array<i64: 1, 128>}, {transform_indices = @transform_6, window_bounds = array<i64: 1000, 128>}]} {
    %get3A = arith.constant 0 : index
    %get3A_0 = arith.constant 0 : index
    %get3A_1 = vector.load %arg1[%get3A, %get3A_0] : memref<1000x128xf32, #tpu.memory_space<vmem>>, vector<1000x128xf32>
    %get3A_2 = arith.constant 0 : index
    %get3A_3 = arith.constant 0 : index
    %get3A_4 = vector.load %arg4[%get3A_2, %get3A_3] : memref<128x128xf32, #tpu.memory_space<vmem>>, vector<128x128xf32>
    %dot_general3A = arith.constant dense<0.000000e+00> : vector<1000x128xf32>
    %dot_general3A_5 = tpu.matmul %get3A_1, %get3A_4, %dot_general3A {dimension_numbers = #tpu.dot_dimension_numbers<[1], [0], [0], [1], [0, 0, 1, 1], [], []>, transpose_lhs_hint = false} : vector<1000x128xf32>, vector<128x128xf32>, vector<1000x128xf32> -> vector<1000x128xf32>
    %get3A_6 = arith.constant 0 : index
    %get3A_7 = arith.constant 0 : index
    %get3A_8 = vector.load %arg6[%get3A_6, %get3A_7] : memref<1x128xf32, #tpu.memory_space<vmem>>, vector<1x128xf32>
    %add3A = vector.broadcast %get3A_8 : vector<1x128xf32> to vector<1000x128xf32>
    %add3A_9 = arith.addf %dot_general3A_5, %add3A : vector<1000x128xf32>
    %get3A_10 = arith.constant 0 : index
    %get3A_11 = arith.constant 0 : index
    %get3A_12 = arith.constant 0 : index
    %get3A_13 = vector.load %arg3[%get3A_10, %get3A_11, %get3A_12] : memref<2x1000x128xf32, #tpu.memory_space<vmem>>, vector<2x1000x128xf32>
    %slice3A = vector.extract_strided_slice %get3A_13 {offsets = [0, 0, 0], sizes = [1, 1000, 128], strides = [1, 1, 1]} : vector<2x1000x128xf32> to vector<1x1000x128xf32>
    %squeeze3A = vector.shape_cast %slice3A : vector<1x1000x128xf32> to vector<1000x128xf32>
    %slice3A_14 = vector.extract_strided_slice %get3A_13 {offsets = [1, 0, 0], sizes = [1, 1000, 128], strides = [1, 1, 1]} : vector<2x1000x128xf32> to vector<1x1000x128xf32>
    %squeeze3A_15 = vector.shape_cast %slice3A_14 : vector<1x1000x128xf32> to vector<1000x128xf32>
    %add3A_16 = arith.addf %squeeze3A, %squeeze3A_15 : vector<1000x128xf32>
    %mul3A = arith.constant 5.000000e-01 : f32
    %mul3A_17 = vector.broadcast %mul3A : f32 to vector<1000x128xf32>
    %mul3A_18 = arith.mulf %add3A_16, %mul3A_17 : vector<1000x128xf32>
    %max3A = arith.constant 1.000000e+00 : f32
    %max3A_19 = vector.broadcast %max3A : f32 to vector<1000x128xf32>
    %max3A_20 = arith.maximumf %mul3A_18, %max3A_19 : vector<1000x128xf32>
    %div3A = arith.constant 1.000000e+00 : f32
    %div3A_21 = vector.broadcast %div3A : f32 to vector<1000x128xf32>
    %div3A_22 = arith.divf %div3A_21, %max3A_20 : vector<1000x128xf32>
    %get3A_23 = arith.constant 0 : index
    %get3A_24 = arith.constant 0 : index
    %get3A_25 = arith.constant 0 : index
    %get3A_26 = vector.load %arg2[%get3A_23, %get3A_24, %get3A_25] : memref<8x1000x128xf32, #tpu.memory_space<vmem>>, vector<8x1000x128xf32>
    %slice3A_27 = vector.extract_strided_slice %get3A_26 {offsets = [0, 0, 0], sizes = [1, 1000, 128], strides = [1, 1, 1]} : vector<8x1000x128xf32> to vector<1x1000x128xf32>
    %squeeze3A_28 = vector.shape_cast %slice3A_27 : vector<1x1000x128xf32> to vector<1000x128xf32>
    %mul3A_29 = arith.mulf %squeeze3A_28, %div3A_22 : vector<1000x128xf32>
    %get3A_30 = arith.constant 0 : index
    %get3A_31 = arith.constant 0 : index
    %get3A_32 = arith.constant 0 : index
    %get3A_33 = vector.load %arg5[%get3A_30, %get3A_31, %get3A_32] : memref<8x128x128xf32, #tpu.memory_space<vmem>>, vector<1x128x128xf32>
    %get3A_34 = vector.shape_cast %get3A_33 : vector<1x128x128xf32> to vector<128x128xf32>
    %dot_general3A_35 = arith.constant dense<0.000000e+00> : vector<1000x128xf32>
    %dot_general3A_36 = tpu.matmul %mul3A_29, %get3A_34, %dot_general3A_35 {dimension_numbers = #tpu.dot_dimension_numbers<[1], [0], [0], [1], [0, 0, 1, 1], [], []>, transpose_lhs_hint = false} : vector<1000x128xf32>, vector<128x128xf32>, vector<1000x128xf32> -> vector<1000x128xf32>
    %add3A_37 = arith.addf %add3A_9, %dot_general3A_36 : vector<1000x128xf32>
    %slice3A_38 = vector.extract_strided_slice %get3A_26 {offsets = [1, 0, 0], sizes = [1, 1000, 128], strides = [1, 1, 1]} : vector<8x1000x128xf32> to vector<1x1000x128xf32>
    %squeeze3A_39 = vector.shape_cast %slice3A_38 : vector<1x1000x128xf32> to vector<1000x128xf32>
    %mul3A_40 = arith.mulf %squeeze3A_39, %div3A_22 : vector<1000x128xf32>
    %get3A_41 = arith.constant 1 : index
    %get3A_42 = arith.constant 0 : index
    %get3A_43 = arith.constant 0 : index
    %get3A_44 = vector.load %arg5[%get3A_41, %get3A_42, %get3A_43] : memref<8x128x128xf32, #tpu.memory_space<vmem>>, vector<1x128x128xf32>
    %get3A_45 = vector.shape_cast %get3A_44 : vector<1x128x128xf32> to vector<128x128xf32>
    %dot_general3A_46 = arith.constant dense<0.000000e+00> : vector<1000x128xf32>
    %dot_general3A_47 = tpu.matmul %mul3A_40, %get3A_45, %dot_general3A_46 {dimension_numbers = #tpu.dot_dimension_numbers<[1], [0], [0], [1], [0, 0, 1, 1], [], []>, transpose_lhs_hint = false} : vector<1000x128xf32>, vector<128x128xf32>, vector<1000x128xf32> -> vector<1000x128xf32>
    %add3A_48 = arith.addf %add3A_37, %dot_general3A_47 : vector<1000x128xf32>
    %slice3A_49 = vector.extract_strided_slice %get3A_26 {offsets = [2, 0, 0], sizes = [1, 1000, 128], strides = [1, 1, 1]} : vector<8x1000x128xf32> to vector<1x1000x128xf32>
    %squeeze3A_50 = vector.shape_cast %slice3A_49 : vector<1x1000x128xf32> to vector<1000x128xf32>
    %mul3A_51 = arith.mulf %squeeze3A_50, %div3A_22 : vector<1000x128xf32>
    %get3A_52 = arith.constant 2 : index
    %get3A_53 = arith.constant 0 : index
    %get3A_54 = arith.constant 0 : index
    %get3A_55 = vector.load %arg5[%get3A_52, %get3A_53, %get3A_54] : memref<8x128x128xf32, #tpu.memory_space<vmem>>, vector<1x128x128xf32>
    %get3A_56 = vector.shape_cast %get3A_55 : vector<1x128x128xf32> to vector<128x128xf32>
    %dot_general3A_57 = arith.constant dense<0.000000e+00> : vector<1000x128xf32>
    %dot_general3A_58 = tpu.matmul %mul3A_51, %get3A_56, %dot_general3A_57 {dimension_numbers = #tpu.dot_dimension_numbers<[1], [0], [0], [1], [0, 0, 1, 1], [], []>, transpose_lhs_hint = false} : vector<1000x128xf32>, vector<128x128xf32>, vector<1000x128xf32> -> vector<1000x128xf32>
    %add3A_59 = arith.addf %add3A_48, %dot_general3A_58 : vector<1000x128xf32>
    %slice3A_60 = vector.extract_strided_slice %get3A_26 {offsets = [3, 0, 0], sizes = [1, 1000, 128], strides = [1, 1, 1]} : vector<8x1000x128xf32> to vector<1x1000x128xf32>
    %squeeze3A_61 = vector.shape_cast %slice3A_60 : vector<1x1000x128xf32> to vector<1000x128xf32>
    %mul3A_62 = arith.mulf %squeeze3A_61, %div3A_22 : vector<1000x128xf32>
    %get3A_63 = arith.constant 3 : index
    %get3A_64 = arith.constant 0 : index
    %get3A_65 = arith.constant 0 : index
    %get3A_66 = vector.load %arg5[%get3A_63, %get3A_64, %get3A_65] : memref<8x128x128xf32, #tpu.memory_space<vmem>>, vector<1x128x128xf32>
    %get3A_67 = vector.shape_cast %get3A_66 : vector<1x128x128xf32> to vector<128x128xf32>
    %dot_general3A_68 = arith.constant dense<0.000000e+00> : vector<1000x128xf32>
    %dot_general3A_69 = tpu.matmul %mul3A_62, %get3A_67, %dot_general3A_68 {dimension_numbers = #tpu.dot_dimension_numbers<[1], [0], [0], [1], [0, 0, 1, 1], [], []>, transpose_lhs_hint = false} : vector<1000x128xf32>, vector<128x128xf32>, vector<1000x128xf32> -> vector<1000x128xf32>
    %add3A_70 = arith.addf %add3A_59, %dot_general3A_69 : vector<1000x128xf32>
    %slice3A_71 = vector.extract_strided_slice %get3A_26 {offsets = [4, 0, 0], sizes = [1, 1000, 128], strides = [1, 1, 1]} : vector<8x1000x128xf32> to vector<1x1000x128xf32>
    %squeeze3A_72 = vector.shape_cast %slice3A_71 : vector<1x1000x128xf32> to vector<1000x128xf32>
    %mul3A_73 = arith.mulf %squeeze3A_72, %div3A_22 : vector<1000x128xf32>
    %get3A_74 = arith.constant 4 : index
    %get3A_75 = arith.constant 0 : index
    %get3A_76 = arith.constant 0 : index
    %get3A_77 = vector.load %arg5[%get3A_74, %get3A_75, %get3A_76] : memref<8x128x128xf32, #tpu.memory_space<vmem>>, vector<1x128x128xf32>
    %get3A_78 = vector.shape_cast %get3A_77 : vector<1x128x128xf32> to vector<128x128xf32>
    %dot_general3A_79 = arith.constant dense<0.000000e+00> : vector<1000x128xf32>
    %dot_general3A_80 = tpu.matmul %mul3A_73, %get3A_78, %dot_general3A_79 {dimension_numbers = #tpu.dot_dimension_numbers<[1], [0], [0], [1], [0, 0, 1, 1], [], []>, transpose_lhs_hint = false} : vector<1000x128xf32>, vector<128x128xf32>, vector<1000x128xf32> -> vector<1000x128xf32>
    %add3A_81 = arith.addf %add3A_70, %dot_general3A_80 : vector<1000x128xf32>
    %slice3A_82 = vector.extract_strided_slice %get3A_26 {offsets = [5, 0, 0], sizes = [1, 1000, 128], strides = [1, 1, 1]} : vector<8x1000x128xf32> to vector<1x1000x128xf32>
    %squeeze3A_83 = vector.shape_cast %slice3A_82 : vector<1x1000x128xf32> to vector<1000x128xf32>
    %mul3A_84 = arith.mulf %squeeze3A_83, %div3A_22 : vector<1000x128xf32>
    %get3A_85 = arith.constant 5 : index
    %get3A_86 = arith.constant 0 : index
    %get3A_87 = arith.constant 0 : index
    %get3A_88 = vector.load %arg5[%get3A_85, %get3A_86, %get3A_87] : memref<8x128x128xf32, #tpu.memory_space<vmem>>, vector<1x128x128xf32>
    %get3A_89 = vector.shape_cast %get3A_88 : vector<1x128x128xf32> to vector<128x128xf32>
    %dot_general3A_90 = arith.constant dense<0.000000e+00> : vector<1000x128xf32>
    %dot_general3A_91 = tpu.matmul %mul3A_84, %get3A_89, %dot_general3A_90 {dimension_numbers = #tpu.dot_dimension_numbers<[1], [0], [0], [1], [0, 0, 1, 1], [], []>, transpose_lhs_hint = false} : vector<1000x128xf32>, vector<128x128xf32>, vector<1000x128xf32> -> vector<1000x128xf32>
    %add3A_92 = arith.addf %add3A_81, %dot_general3A_91 : vector<1000x128xf32>
    %slice3A_93 = vector.extract_strided_slice %get3A_26 {offsets = [6, 0, 0], sizes = [1, 1000, 128], strides = [1, 1, 1]} : vector<8x1000x128xf32> to vector<1x1000x128xf32>
    %squeeze3A_94 = vector.shape_cast %slice3A_93 : vector<1x1000x128xf32> to vector<1000x128xf32>
    %mul3A_95 = arith.mulf %squeeze3A_94, %div3A_22 : vector<1000x128xf32>
    %get3A_96 = arith.constant 6 : index
    %get3A_97 = arith.constant 0 : index
    %get3A_98 = arith.constant 0 : index
    %get3A_99 = vector.load %arg5[%get3A_96, %get3A_97, %get3A_98] : memref<8x128x128xf32, #tpu.memory_space<vmem>>, vector<1x128x128xf32>
    %get3A_100 = vector.shape_cast %get3A_99 : vector<1x128x128xf32> to vector<128x128xf32>
    %dot_general3A_101 = arith.constant dense<0.000000e+00> : vector<1000x128xf32>
    %dot_general3A_102 = tpu.matmul %mul3A_95, %get3A_100, %dot_general3A_101 {dimension_numbers = #tpu.dot_dimension_numbers<[1], [0], [0], [1], [0, 0, 1, 1], [], []>, transpose_lhs_hint = false} : vector<1000x128xf32>, vector<128x128xf32>, vector<1000x128xf32> -> vector<1000x128xf32>
    %add3A_103 = arith.addf %add3A_92, %dot_general3A_102 : vector<1000x128xf32>
    %slice3A_104 = vector.extract_strided_slice %get3A_26 {offsets = [7, 0, 0], sizes = [1, 1000, 128], strides = [1, 1, 1]} : vector<8x1000x128xf32> to vector<1x1000x128xf32>
    %squeeze3A_105 = vector.shape_cast %slice3A_104 : vector<1x1000x128xf32> to vector<1000x128xf32>
    %mul3A_106 = arith.mulf %squeeze3A_105, %div3A_22 : vector<1000x128xf32>
    %get3A_107 = arith.constant 7 : index
    %get3A_108 = arith.constant 0 : index
    %get3A_109 = arith.constant 0 : index
    %get3A_110 = vector.load %arg5[%get3A_107, %get3A_108, %get3A_109] : memref<8x128x128xf32, #tpu.memory_space<vmem>>, vector<1x128x128xf32>
    %get3A_111 = vector.shape_cast %get3A_110 : vector<1x128x128xf32> to vector<128x128xf32>
    %dot_general3A_112 = arith.constant dense<0.000000e+00> : vector<1000x128xf32>
    %dot_general3A_113 = tpu.matmul %mul3A_106, %get3A_111, %dot_general3A_112 {dimension_numbers = #tpu.dot_dimension_numbers<[1], [0], [0], [1], [0, 0, 1, 1], [], []>, transpose_lhs_hint = false} : vector<1000x128xf32>, vector<128x128xf32>, vector<1000x128xf32> -> vector<1000x128xf32>
    %add3A_114 = arith.addf %add3A_103, %dot_general3A_113 : vector<1000x128xf32>
    %max3A_115 = arith.constant 0.000000e+00 : f32
    %max3A_116 = vector.broadcast %max3A_115 : f32 to vector<1000x128xf32>
    %max3A_117 = arith.maximumf %add3A_114, %max3A_116 : vector<1000x128xf32>
    %swap3A = arith.constant 0 : index
    %swap3A_118 = arith.constant 0 : index
    %swap3A_119 = vector.load %arg7[%swap3A, %swap3A_118] : memref<1000x128xf32, #tpu.memory_space<vmem>>, vector<1000x128xf32>
    tpu.vector_store %arg7[%swap3A, %swap3A_118], %max3A_117 {strides = array<i32>} : memref<1000x128xf32, #tpu.memory_space<vmem>>, vector<1000x128xf32>,
    return
  }
  func.func @transform_0(%arg0: i32) -> (i32, i32) {
    %c0_i32 = arith.constant 0 : i32
    %c0_i32_0 = arith.constant 0 : i32
    return %arg0, %c0_i32 : i32, i32
  }
  func.func @transform_1(%arg0: i32) -> (i32, i32, i32) {
    %c0_i32 = arith.constant 0 : i32
    %c0_i32_0 = arith.constant 0 : i32
    %c0_i32_1 = arith.constant 0 : i32
    return %c0_i32, %arg0, %c0_i32_0 : i32, i32, i32
  }
  func.func @transform_2(%arg0: i32) -> (i32, i32, i32) {
    %c0_i32 = arith.constant 0 : i32
    %c0_i32_0 = arith.constant 0 : i32
    %c0_i32_1 = arith.constant 0 : i32
    return %c0_i32, %arg0, %c0_i32_0 : i32, i32, i32
  }
  func.func @transform_3(%arg0: i32) -> (i32, i32) {
    %c0_i32 = arith.constant 0 : i32
    %c0_i32_0 = arith.constant 0 : i32
    %c0_i32_1 = arith.constant 0 : i32
    return %c0_i32, %c0_i32_0 : i32, i32
  }
  func.func @transform_4(%arg0: i32) -> (i32, i32, i32) {
    %c0_i32 = arith.constant 0 : i32
    %c0_i32_0 = arith.constant 0 : i32
    %c0_i32_1 = arith.constant 0 : i32
    %c0_i32_2 = arith.constant 0 : i32
    return %c0_i32, %c0_i32_0, %c0_i32_1 : i32, i32, i32
  }
  func.func @transform_5(%arg0: i32) -> (i32, i32) {
    %c0_i32 = arith.constant 0 : i32
    %c0_i32_0 = arith.constant 0 : i32
    %c0_i32_1 = arith.constant 0 : i32
    return %c0_i32, %c0_i32_0 : i32, i32
  }
  func.func @transform_6(%arg0: i32) -> (i32, i32) {
    %c0_i32 = arith.constant 0 : i32
    %c0_i32_0 = arith.constant 0 : i32
    return %arg0, %c0_i32 : i32, i32
  }
}

module attributes {stable_mosaic.version = 14 : i64} {
  func.func @tc_body(%arg0: i32, %arg1: memref<1000x128xf32, #tpu.memory_space<vmem>>, %arg2: memref<8x1000x128xf32, #tpu.memory_space<vmem>>, %arg3: memref<2x1000x128xf32, #tpu.memory_space<vmem>>, %arg4: memref<128x128xf32, #tpu.memory_space<vmem>>, %arg5: memref<8x128x128xf32, #tpu.memory_space<vmem>>, %arg6: memref<1x128xf32, #tpu.memory_space<vmem>>, %arg7: memref<1000x128xf32, #tpu.memory_space<vmem>>) attributes {dimension_semantics = [#tpu.dimension_semantics<arbitrary>], iteration_bounds = array<i64: 10>, scalar_prefetch = 0 : i64, scratch_operands = 0 : i64, tpu.core_type = #tpu.core_type<tc>, window_params = [{transform_indices = @transform_0, window_bounds = array<i64: 1000, 128>}, {transform_indices = @transform_1, window_bounds = array<i64: 8, 1000, 128>}, {transform_indices = @transform_2, window_bounds = array<i64: 2, 1000, 128>}, {pipeline_mode = #tpu.pipeline_mode<synchronous>, transform_indices = @transform_3, window_bounds = array<i64: 128, 128>}, {pipeline_mode = #tpu.pipeline_mode<synchronous>, transform_indices = @transform_4, window_bounds = array<i64: 8, 128, 128>}, {pipeline_mode = #tpu.pipeline_mode<synchronous>, transform_indices = @transform_5, window_bounds = array<i64: 1, 128>}, {transform_indices = @transform_6, window_bounds = array<i64: 1000, 128>}]} {
    %get3A = arith.constant 0 : index
    %get3A_0 = arith.constant 0 : index
    %get3A_1 = vector.load %arg1[%get3A, %get3A_0] : memref<1000x128xf32, #tpu.memory_space<vmem>>, vector<1000x128xf32>
    %get3A_2 = arith.constant 0 : index
    %get3A_3 = arith.constant 0 : index
    %get3A_4 = vector.load %arg4[%get3A_2, %get3A_3] : memref<128x128xf32, #tpu.memory_space<vmem>>, vector<128x128xf32>
    %dot_general3A = arith.constant dense<0.000000e+00> : vector<1000x128xf32>
    %dot_general3A_5 = tpu.matmul %get3A_1, %get3A_4, %dot_general3A {dimension_numbers = #tpu.dot_dimension_numbers<[1], [0], [0], [1], [0, 0, 1, 1], [], []>, transpose_lhs_hint = false} : vector<1000x128xf32>, vector<128x128xf32>, vector<1000x128xf32> -> vector<1000x128xf32>
    %get3A_6 = arith.constant 0 : index
    %get3A_7 = arith.constant 0 : index
    %get3A_8 = vector.load %arg6[%get3A_6, %get3A_7] : memref<1x128xf32, #tpu.memory_space<vmem>>, vector<1x128xf32>
    %add3A = vector.broadcast %get3A_8 : vector<1x128xf32> to vector<1000x128xf32>
    %add3A_9 = arith.addf %dot_general3A_5, %add3A : vector<1000x128xf32>
    %get3A_10 = arith.constant 0 : index
    %get3A_11 = arith.constant 0 : index
    %get3A_12 = arith.constant 0 : index
    %get3A_13 = vector.load %arg3[%get3A_10, %get3A_11, %get3A_12] : memref<2x1000x128xf32, #tpu.memory_space<vmem>>, vector<2x1000x128xf32>
    %slice3A = vector.extract_strided_slice %get3A_13 {offsets = [0, 0, 0], sizes = [1, 1000, 128], strides = [1, 1, 1]} : vector<2x1000x128xf32> to vector<1x1000x128xf32>
    %squeeze3A = vector.shape_cast %slice3A : vector<1x1000x128xf32> to vector<1000x128xf32>
    %slice3A_14 = vector.extract_strided_slice %get3A_13 {offsets = [1, 0, 0], sizes = [1, 1000, 128], strides = [1, 1, 1]} : vector<2x1000x128xf32> to vector<1x1000x128xf32>
    %squeeze3A_15 = vector.shape_cast %slice3A_14 : vector<1x1000x128xf32> to vector<1000x128xf32>
    %add3A_16 = arith.addf %squeeze3A, %squeeze3A_15 : vector<1000x128xf32>
    %mul3A = arith.constant 5.000000e-01 : f32
    %mul3A_17 = vector.broadcast %mul3A : f32 to vector<1000x128xf32>
    %mul3A_18 = arith.mulf %add3A_16, %mul3A_17 : vector<1000x128xf32>
    %max3A = arith.constant 1.000000e+00 : f32
    %max3A_19 = vector.broadcast %max3A : f32 to vector<1000x128xf32>
    %max3A_20 = arith.maximumf %mul3A_18, %max3A_19 : vector<1000x128xf32>
    %div3A = arith.constant 1.000000e+00 : f32
    %div3A_21 = vector.broadcast %div3A : f32 to vector<1000x128xf32>
    %div3A_22 = arith.divf %div3A_21, %max3A_20 : vector<1000x128xf32>
    %get3A_23 = arith.constant 0 : index
    %get3A_24 = arith.constant 0 : index
    %get3A_25 = arith.constant 0 : index
    %get3A_26 = vector.load %arg2[%get3A_23, %get3A_24, %get3A_25] : memref<8x1000x128xf32, #tpu.memory_space<vmem>>, vector<8x1000x128xf32>
    %slice3A_27 = vector.extract_strided_slice %get3A_26 {offsets = [0, 0, 0], sizes = [1, 1000, 128], strides = [1, 1, 1]} : vector<8x1000x128xf32> to vector<1x1000x128xf32>
    %squeeze3A_28 = vector.shape_cast %slice3A_27 : vector<1x1000x128xf32> to vector<1000x128xf32>
    %mul3A_29 = arith.mulf %squeeze3A_28, %div3A_22 : vector<1000x128xf32>
    %get3A_30 = arith.constant 0 : index
    %get3A_31 = arith.constant 0 : index
    %get3A_32 = arith.constant 0 : index
    %get3A_33 = vector.load %arg5[%get3A_30, %get3A_31, %get3A_32] : memref<8x128x128xf32, #tpu.memory_space<vmem>>, vector<1x128x128xf32>
    %get3A_34 = vector.shape_cast %get3A_33 : vector<1x128x128xf32> to vector<128x128xf32>
    %dot_general3A_35 = arith.constant dense<0.000000e+00> : vector<1000x128xf32>
    %dot_general3A_36 = tpu.matmul %mul3A_29, %get3A_34, %dot_general3A_35 {dimension_numbers = #tpu.dot_dimension_numbers<[1], [0], [0], [1], [0, 0, 1, 1], [], []>, transpose_lhs_hint = false} : vector<1000x128xf32>, vector<128x128xf32>, vector<1000x128xf32> -> vector<1000x128xf32>
    %add3A_37 = arith.addf %add3A_9, %dot_general3A_36 : vector<1000x128xf32>
    %slice3A_38 = vector.extract_strided_slice %get3A_26 {offsets = [1, 0, 0], sizes = [1, 1000, 128], strides = [1, 1, 1]} : vector<8x1000x128xf32> to vector<1x1000x128xf32>
    %squeeze3A_39 = vector.shape_cast %slice3A_38 : vector<1x1000x128xf32> to vector<1000x128xf32>
    %mul3A_40 = arith.mulf %squeeze3A_39, %div3A_22 : vector<1000x128xf32>
    %get3A_41 = arith.constant 1 : index
    %get3A_42 = arith.constant 0 : index
    %get3A_43 = arith.constant 0 : index
    %get3A_44 = vector.load %arg5[%get3A_41, %get3A_42, %get3A_43] : memref<8x128x128xf32, #tpu.memory_space<vmem>>, vector<1x128x128xf32>
    %get3A_45 = vector.shape_cast %get3A_44 : vector<1x128x128xf32> to vector<128x128xf32>
    %dot_general3A_46 = arith.constant dense<0.000000e+00> : vector<1000x128xf32>
    %dot_general3A_47 = tpu.matmul %mul3A_40, %get3A_45, %dot_general3A_46 {dimension_numbers = #tpu.dot_dimension_numbers<[1], [0], [0], [1], [0, 0, 1, 1], [], []>, transpose_lhs_hint = false} : vector<1000x128xf32>, vector<128x128xf32>, vector<1000x128xf32> -> vector<1000x128xf32>
    %add3A_48 = arith.addf %add3A_37, %dot_general3A_47 : vector<1000x128xf32>
    %slice3A_49 = vector.extract_strided_slice %get3A_26 {offsets = [2, 0, 0], sizes = [1, 1000, 128], strides = [1, 1, 1]} : vector<8x1000x128xf32> to vector<1x1000x128xf32>
    %squeeze3A_50 = vector.shape_cast %slice3A_49 : vector<1x1000x128xf32> to vector<1000x128xf32>
    %mul3A_51 = arith.mulf %squeeze3A_50, %div3A_22 : vector<1000x128xf32>
    %get3A_52 = arith.constant 2 : index
    %get3A_53 = arith.constant 0 : index
    %get3A_54 = arith.constant 0 : index
    %get3A_55 = vector.load %arg5[%get3A_52, %get3A_53, %get3A_54] : memref<8x128x128xf32, #tpu.memory_space<vmem>>, vector<1x128x128xf32>
    %get3A_56 = vector.shape_cast %get3A_55 : vector<1x128x128xf32> to vector<128x128xf32>
    %dot_general3A_57 = arith.constant dense<0.000000e+00> : vector<1000x128xf32>
    %dot_general3A_58 = tpu.matmul %mul3A_51, %get3A_56, %dot_general3A_57 {dimension_numbers = #tpu.dot_dimension_numbers<[1], [0], [0], [1], [0, 0, 1, 1], [], []>, transpose_lhs_hint = false} : vector<1000x128xf32>, vector<128x128xf32>, vector<1000x128xf32> -> vector<1000x128xf32>
    %add3A_59 = arith.addf %add3A_48, %dot_general3A_58 : vector<1000x128xf32>
    %slice3A_60 = vector.extract_strided_slice %get3A_26 {offsets = [3, 0, 0], sizes = [1, 1000, 128], strides = [1, 1, 1]} : vector<8x1000x128xf32> to vector<1x1000x128xf32>
    %squeeze3A_61 = vector.shape_cast %slice3A_60 : vector<1x1000x128xf32> to vector<1000x128xf32>
    %mul3A_62 = arith.mulf %squeeze3A_61, %div3A_22 : vector<1000x128xf32>
    %get3A_63 = arith.constant 3 : index
    %get3A_64 = arith.constant 0 : index
    %get3A_65 = arith.constant 0 : index
    %get3A_66 = vector.load %arg5[%get3A_63, %get3A_64, %get3A_65] : memref<8x128x128xf32, #tpu.memory_space<vmem>>, vector<1x128x128xf32>
    %get3A_67 = vector.shape_cast %get3A_66 : vector<1x128x128xf32> to vector<128x128xf32>
    %dot_general3A_68 = arith.constant dense<0.000000e+00> : vector<1000x128xf32>
    %dot_general3A_69 = tpu.matmul %mul3A_62, %get3A_67, %dot_general3A_68 {dimension_numbers = #tpu.dot_dimension_numbers<[1], [0], [0], [1], [0, 0, 1, 1], [], []>, transpose_lhs_hint = false} : vector<1000x128xf32>, vector<128x128xf32>, vector<1000x128xf32> -> vector<1000x128xf32>
    %add3A_70 = arith.addf %add3A_59, %dot_general3A_69 : vector<1000x128xf32>
    %slice3A_71 = vector.extract_strided_slice %get3A_26 {offsets = [4, 0, 0], sizes = [1, 1000, 128], strides = [1, 1, 1]} : vector<8x1000x128xf32> to vector<1x1000x128xf32>
    %squeeze3A_72 = vector.shape_cast %slice3A_71 : vector<1x1000x128xf32> to vector<1000x128xf32>
    %mul3A_73 = arith.mulf %squeeze3A_72, %div3A_22 : vector<1000x128xf32>
    %get3A_74 = arith.constant 4 : index
    %get3A_75 = arith.constant 0 : index
    %get3A_76 = arith.constant 0 : index
    %get3A_77 = vector.load %arg5[%get3A_74, %get3A_75, %get3A_76] : memref<8x128x128xf32, #tpu.memory_space<vmem>>, vector<1x128x128xf32>
    %get3A_78 = vector.shape_cast %get3A_77 : vector<1x128x128xf32> to vector<128x128xf32>
    %dot_general3A_79 = arith.constant dense<0.000000e+00> : vector<1000x128xf32>
    %dot_general3A_80 = tpu.matmul %mul3A_73, %get3A_78, %dot_general3A_79 {dimension_numbers = #tpu.dot_dimension_numbers<[1], [0], [0], [1], [0, 0, 1, 1], [], []>, transpose_lhs_hint = false} : vector<1000x128xf32>, vector<128x128xf32>, vector<1000x128xf32> -> vector<1000x128xf32>
    %add3A_81 = arith.addf %add3A_70, %dot_general3A_80 : vector<1000x128xf32>
    %slice3A_82 = vector.extract_strided_slice %get3A_26 {offsets = [5, 0, 0], sizes = [1, 1000, 128], strides = [1, 1, 1]} : vector<8x1000x128xf32> to vector<1x1000x128xf32>
    %squeeze3A_83 = vector.shape_cast %slice3A_82 : vector<1x1000x128xf32> to vector<1000x128xf32>
    %mul3A_84 = arith.mulf %squeeze3A_83, %div3A_22 : vector<1000x128xf32>
    %get3A_85 = arith.constant 5 : index
    %get3A_86 = arith.constant 0 : index
    %get3A_87 = arith.constant 0 : index
    %get3A_88 = vector.load %arg5[%get3A_85, %get3A_86, %get3A_87] : memref<8x128x128xf32, #tpu.memory_space<vmem>>, vector<1x128x128xf32>
    %get3A_89 = vector.shape_cast %get3A_88 : vector<1x128x128xf32> to vector<128x128xf32>
    %dot_general3A_90 = arith.constant dense<0.000000e+00> : vector<1000x128xf32>
    %dot_general3A_91 = tpu.matmul %mul3A_84, %get3A_89, %dot_general3A_90 {dimension_numbers = #tpu.dot_dimension_numbers<[1], [0], [0], [1], [0, 0, 1, 1], [], []>, transpose_lhs_hint = false} : vector<1000x128xf32>, vector<128x128xf32>, vector<1000x128xf32> -> vector<1000x128xf32>
    %add3A_92 = arith.addf %add3A_81, %dot_general3A_91 : vector<1000x128xf32>
    %slice3A_93 = vector.extract_strided_slice %get3A_26 {offsets = [6, 0, 0], sizes = [1, 1000, 128], strides = [1, 1, 1]} : vector<8x1000x128xf32> to vector<1x1000x128xf32>
    %squeeze3A_94 = vector.shape_cast %slice3A_93 : vector<1x1000x128xf32> to vector<1000x128xf32>
    %mul3A_95 = arith.mulf %squeeze3A_94, %div3A_22 : vector<1000x128xf32>
    %get3A_96 = arith.constant 6 : index
    %get3A_97 = arith.constant 0 : index
    %get3A_98 = arith.constant 0 : index
    %get3A_99 = vector.load %arg5[%get3A_96, %get3A_97, %get3A_98] : memref<8x128x128xf32, #tpu.memory_space<vmem>>, vector<1x128x128xf32>
    %get3A_100 = vector.shape_cast %get3A_99 : vector<1x128x128xf32> to vector<128x128xf32>
    %dot_general3A_101 = arith.constant dense<0.000000e+00> : vector<1000x128xf32>
    %dot_general3A_102 = tpu.matmul %mul3A_95, %get3A_100, %dot_general3A_101 {dimension_numbers = #tpu.dot_dimension_numbers<[1], [0], [0], [1], [0, 0, 1, 1], [], []>, transpose_lhs_hint = false} : vector<1000x128xf32>, vector<128x128xf32>, vector<1000x128xf32> -> vector<1000x128xf32>
    %add3A_103 = arith.addf %add3A_92, %dot_general3A_102 : vector<1000x128xf32>
    %slice3A_104 = vector.extract_strided_slice %get3A_26 {offsets = [7, 0, 0], sizes = [1, 1000, 128], strides = [1, 1, 1]} : vector<8x1000x128xf32> to vector<1x1000x128xf32>
    %squeeze3A_105 = vector.shape_cast %slice3A_104 : vector<1x1000x128xf32> to vector<1000x128xf32>
    %mul3A_106 = arith.mulf %squeeze3A_105, %div3A_22 : vector<1000x128xf32>
    %get3A_107 = arith.constant 7 : index
    %get3A_108 = arith.constant 0 : index
    %get3A_109 = arith.constant 0 : index
    %get3A_110 = vector.load %arg5[%get3A_107, %get3A_108, %get3A_109] : memref<8x128x128xf32, #tpu.memory_space<vmem>>, vector<1x128x128xf32>
    %get3A_111 = vector.shape_cast %get3A_110 : vector<1x128x128xf32> to vector<128x128xf32>
    %dot_general3A_112 = arith.constant dense<0.000000e+00> : vector<1000x128xf32>
    %dot_general3A_113 = tpu.matmul %mul3A_106, %get3A_111, %dot_general3A_112 {dimension_numbers = #tpu.dot_dimension_numbers<[1], [0], [0], [1], [0, 0, 1, 1], [], []>, transpose_lhs_hint = false} : vector<1000x128xf32>, vector<128x128xf32>, vector<1000x128xf32> -> vector<1000x128xf32>
    %add3A_114 = arith.addf %add3A_103, %dot_general3A_113 : vector<1000x128xf32>
    %swap3A = arith.constant 0 : index
    %swap3A_115 = arith.constant 0 : index
    %swap3A_116 = vector.load %arg7[%swap3A, %swap3A_115] : memref<1000x128xf32, #tpu.memory_space<vmem>>, vector<1000x128xf32>
    tpu.vector_store %arg7[%swap3A, %swap3A_115], %add3A_114 {strides = array<i32>} : memref<1000x128xf32, #tpu.memory_space<vmem>>, vector<1000x128xf32>,
    return
  }
  func.func @transform_0(%arg0: i32) -> (i32, i32) {
    %c0_i32 = arith.constant 0 : i32
    %c0_i32_0 = arith.constant 0 : i32
    return %arg0, %c0_i32 : i32, i32
  }
  func.func @transform_1(%arg0: i32) -> (i32, i32, i32) {
    %c0_i32 = arith.constant 0 : i32
    %c0_i32_0 = arith.constant 0 : i32
    %c0_i32_1 = arith.constant 0 : i32
    return %c0_i32, %arg0, %c0_i32_0 : i32, i32, i32
  }
  func.func @transform_2(%arg0: i32) -> (i32, i32, i32) {
    %c0_i32 = arith.constant 0 : i32
    %c0_i32_0 = arith.constant 0 : i32
    %c0_i32_1 = arith.constant 0 : i32
    return %c0_i32, %arg0, %c0_i32_0 : i32, i32, i32
  }
  func.func @transform_3(%arg0: i32) -> (i32, i32) {
    %c0_i32 = arith.constant 0 : i32
    %c0_i32_0 = arith.constant 0 : i32
    %c0_i32_1 = arith.constant 0 : i32
    return %c0_i32, %c0_i32_0 : i32, i32
  }
  func.func @transform_4(%arg0: i32) -> (i32, i32, i32) {
    %c0_i32 = arith.constant 0 : i32
    %c0_i32_0 = arith.constant 0 : i32
    %c0_i32_1 = arith.constant 0 : i32
    %c0_i32_2 = arith.constant 0 : i32
    return %c0_i32, %c0_i32_0, %c0_i32_1 : i32, i32, i32
  }
  func.func @transform_5(%arg0: i32) -> (i32, i32) {
    %c0_i32 = arith.constant 0 : i32
    %c0_i32_0 = arith.constant 0 : i32
    %c0_i32_1 = arith.constant 0 : i32
    return %c0_i32, %c0_i32_0 : i32, i32
  }
  func.func @transform_6(%arg0: i32) -> (i32, i32) {
    %c0_i32 = arith.constant 0 : i32
    %c0_i32_0 = arith.constant 0 : i32
    return %arg0, %c0_i32 : i32, i32
  }
}

</mosaic_0001>

<sc_bundles>
// kernel: kernel.6.cloned.1.call-start
scs
__scs_entry_jumppad:
0x0: {  	(pc) =	sbr.rel $0x88, $3  }
0x1: {  	(tag) =	ssettag $0x0;
	lr =	simm.s32 $0x1  }
0x2: {  	[smem:$0x3F98] =	sst lr;
	_ =	strace $0xD0000000  }
0x3: {  	_ = 	snop  }
0x4: {  	_ = 	snop  }
0x5: {  	_ = 	snop  }
0x6: {  	_ = 	snop  }
0x7: {  	_ = 	snop  }
__scs_overlays_trampoline_lowered:
0x8: {  	[smem:$0x3FA7] =	sst s0  }
0x9: {  	[smem:$0x3FA8] =	sst s1  }
0xa: {  	[smem:$0x3FA9] =	sst s2  }
0xb: {  	[smem:$0x3FAA] =	sst s3  }
0xc: {  	[smem:$0x3FAB] =	sst s4  }
0xd: {  	[smem:$0x3FAC] =	sst s5  }
0xe: {  	[smem:$0x3FAD] =	sst s6  }
0xf: {  	[smem:$0x3FAE] =	sst s7  }
0x10: {  	[smem:$0x3FAF] =	sst s8  }
0x11: {  	[smem:$0x3FB0] =	sst s9;
	s0 =	simm.s32 @!p0 $0x0  }
0x12: {  	s1 =	sld [smem:$0x3F96];
	s0 =	simm.s32 @p0 $0x1  }
0x13: {  	[smem:$0x3FB1] =	sst s0;
	s0 =	simm.s32 @!p1 $0x0  }
0x14: {  	s2 =	sld [smem:$0x3F95];
	s0 =	simm.s32 @p1 $0x1  }
0x15: {  	[smem:$0x3FB2] =	sst s0;
	s0 =	simm.s32 @!p2 $0x0  }
0x16: {  	s3 =	sld [smem:$0x3FDB];
	s0 =	simm.s32 @p2 $0x1  }
0x17: {  	s4 =	simm.s32 $0x1BF5;
	[smem:$0x3FB4] =	sst s0  }
0x18: {  	s0 =	sld [smem:$0x3F97];
	_ =	swait.ge [sflag:s4], $0x0  }
0x19: {  	s7 =	sld [smem:$0x3F98]  }
0x1a: {  	s8 =	sadd.s32 $0xFFFFE003, lr  }
0x1b: {  	s9 =	sadd.s32 $0xFFFFFEF7, lr;
	s5 =	simm.s32 $0xFFFFFFFF;
	p2 =	slt.u32 s8, $0xFFFFF086  }
0x1c: {  	p1 =	slt.u32 s9, $0xF7A;
	s5 =	simm.s32 @!p2 $0x0  }
0x1d: {  	s5 =	simm.s32 @p1 $0x1;
	p0 =	seq.s32 s7, s2  }
0x1e: {  	s7 =	smul.u32 @!p0 $0xF7A, s2;
	p2 =	seq.s32 @!p0 s5, $0x0  }
0x1f: {  	s9 =	smul.u32 $0xF7A, s1;
	s8 =	simm.s32 @!p0 $0x1BF5;
	p2 =	por !p2, p0  }
0x20: {  	[sflag:s8] =	ssyncset.s32 @!p0 $0xFFFFF086;
	s6 =	sadd.s32 @!p0 s3, s7;
	s7 =	simm.s32 @!p0 $0x108  }
0x21: {  	s3 =	sadd.s32 s3, s9;
	s6 =	sadd.s32 @!p0 $0x88, s6;
	s7 =	simm.s32 @p2 $0x1082  }
0x22: {  	[simem:s7], [sflag:s8] =	dma.local @!p0 [hbm:s6], $0xF7A  }
0x23: {  	s9 =	sor.u32 $0xD0000000, s2;
	s6 =	simm.s32 $0x108;
	_ =	swait.ge @!p0 [sflag:s8], $0x0  }
0x24: {  	s3 =	sadd.s32 $0x88, s3;
	s6 =	simm.s32 @!p1 $0x1082;
	[sflag:s4] =	ssyncset.s32 $0xFFFFF086  }
0x25: {  	[simem:s6], [sflag:s4] =	dma.local [hbm:s3], $0xF7A  }
0x26: {  	[smem:$0x3F98] =	sst s1;
	(tag) =	ssettag s2;
	_ =	strace s9  }
0x27: {  	s1 =	sld [smem:$0x3FA8]  }
0x28: {  	s2 =	sld [smem:$0x3FA9]  }
0x29: {  	s4 =	sld [smem:$0x3FAB]  }
0x2a: {  	p0 =	seq.s32 s5, $0x0;
	s5 =	sld [smem:$0x3FAC]  }
0x2b: {  	s6 =	sld [smem:$0x3FAD]  }
0x2c: {  	s7 =	sld [smem:$0x3FAE]  }
0x2d: {  	s3 =	simm.s32 $0x108;
	s8 =	sld [smem:$0x3FAF]  }
0x2e: {  	s3 =	simm.s32 @!p0 $0x1082;
	s9 =	sld [smem:$0x3FB0]  }
0x2f: {  	lr =	sadd.s32 s0, s3;
	s0 =	sld [smem:$0x3FA7]  }
0x30: {  	s3 =	sld [smem:$0x3FAA]  }
0x31: {  	[smem:$0x3FB3] =	sst s10  }
0x32: {  	s10 =	sld [smem:$0x3FB1];
	_ =	sdelay $0x3  }
0x33: {  	p0 =	seq.s32 s10, $0x1;
	s10 =	sld [smem:$0x3FB3];
	_ =	sdelay $0x3  }
0x34: {  	[smem:$0x3FB3] =	sst s10  }
0x35: {  	s10 =	sld [smem:$0x3FB2];
	_ =	sdelay $0x3  }
0x36: {  	p1 =	seq.s32 s10, $0x1;
	s10 =	sld [smem:$0x3FB3];
	_ =	sdelay $0x3  }
0x37: {  	[smem:$0x3FB3] =	sst s10  }
0x38: {  	s10 =	sld [smem:$0x3FB4]  }
0x39: {  	_ = 	snop;
	(pc) =	sbr.ind lr, $3  }
0x3a: {  	_ = 	snop  }
0x3b: {  	_ = 	snop  }
0x3c: {  	p2 =	seq.s32 s10, $0x1;
	s10 =	sld [smem:$0x3FB3]  }
0x3d: {  	_ =	shalt  }
0x3e: {  	_ =	shalt  }
0x3f: {  	_ =	shalt  }
0x40: {  	_ =	shalt  }
0x41: {  	_ =	shalt  }
0x42: {  	_ =	shalt  }
0x43: {  	_ =	shalt  }
0x44: {  	_ =	shalt  }
0x45: {  	_ =	shalt  }
0x46: {  	_ =	shalt  }
0x47: {  	_ =	shalt  }
0x48: {  	_ =	shalt  }
0x49: {  	_ =	shalt  }
0x4a: {  	_ =	shalt  }
0x4b: {  	_ =	shalt  }
0x4c: {  	_ =	shalt  }
0x4d: {  	_ =	shalt  }
0x4e: {  	_ =	shalt  }
0x4f: {  	_ =	shalt  }
0x50: {  	_ =	shalt  }
0x51: {  	_ =	shalt  }
0x52: {  	_ =	shalt  }
0x53: {  	_ =	shalt  }
0x54: {  	_ =	shalt  }
0x55: {  	_ =	shalt  }
0x56: {  	_ =	shalt  }
0x57: {  	_ =	shalt  }
0x58: {  	_ =	shalt  }
0x59: {  	_ =	shalt  }
0x5a: {  	_ =	shalt  }
0x5b: {  	_ =	shalt  }
0x5c: {  	_ =	shalt  }
0x5d: {  	_ =	shalt  }
0x5e: {  	_ =	shalt  }
0x5f: {  	_ =	shalt  }
0x60: {  	_ =	shalt  }
0x61: {  	_ =	shalt  }
0x62: {  	_ =	shalt  }
0x63: {  	_ =	shalt  }
0x64: {  	_ =	shalt  }
0x65: {  	_ =	shalt  }
0x66: {  	_ =	shalt  }
0x67: {  	_ =	shalt  }
0x68: {  	_ =	shalt  }
0x69: {  	_ =	shalt  }
0x6a: {  	_ =	shalt  }
0x6b: {  	_ =	shalt  }
0x6c: {  	_ =	shalt  }
0x6d: {  	_ =	shalt  }
0x6e: {  	_ =	shalt  }
0x6f: {  	_ =	shalt  }
0x70: {  	_ =	shalt  }
0x71: {  	_ =	shalt  }
0x72: {  	_ =	shalt  }
0x73: {  	_ =	shalt  }
0x74: {  	_ =	shalt  }
0x75: {  	_ =	shalt  }
0x76: {  	_ =	shalt  }
0x77: {  	_ =	shalt  }
0x78: {  	_ =	shalt  }
0x79: {  	_ =	shalt  }
0x7a: {  	_ =	shalt  }
0x7b: {  	_ =	shalt  }
0x7c: {  	_ =	shalt  }
0x7d: {  	_ =	shalt  }
0x7e: {  	_ =	shalt  }
0x7f: {  	_ =	shalt  }
0x80: {  	_ =	shalt  }
0x81: {  	_ =	shalt  }
0x82: {  	_ =	shalt  }
0x83: {  	_ =	shalt  }
0x84: {  	_ =	shalt  }
0x85: {  	_ =	shalt  }
0x86: {  	_ =	shalt  }
0x87: {  	_ =	shalt  }
.Lfunc_end0:
.L_simem_size_0:
called_computation_lowered:
.L_overlay_start_0:
0x88: {  	s2 =	sld [smem:$0x3FD9]  }
0x89: {  	s3 =	sld [smem:$0x3FFE];
	_ =	sdelay $0x1  }
0x8a: {  	s1 =	srdreg.scid  }
0x8b: {  	s0 =	sand.u32 $0x1, s1  }
0x8c: {  	s17 =	sshll.u32 s0, $0xA;
	s2 =	sadd.s32 s3, s2  }
0x8d: {  	s2 =	sadd.s32 s2, s17  }
0x8e: {  	[smem:$0x3FBF] =	sst s2  }
0x8f: {  	_ = 	snop  }
0x90: {  	s2 =	sld [smem:$0x3FD0];
	(tm) =	ssettm $0x1  }
0x91: {  	s18 =	sld [smem:$0x3FFB];
	_ =	sdelay $0x3  }
0x92: {  	_ =	strace s18  }
0x93: {  	s3 =	sld [smem:$0x3FFC];
	_ =	sdelay $0x3  }
0x94: {  	_ =	strace s3  }
0x95: {  	s3 =	sld [smem:$0x3FFD];
	_ =	sdelay $0x3  }
0x96: {  	_ =	strace s3  }
0x97: {  	_ =	strace $0x8FFFFFFF  }
0x98: {  	s19 =	sld [smem:$0x3FDB];
	_ =	sdelay $0x1  }
0x99: {  	s4 =	simm.s32 $_scs_section_size  }
0x9a: {  	s5 =	simm.s32 $_size__tile_overlayer_lowered;
	s6 =	simm.s32 $_tile_overlayer_lowered  }
0x9b: {  	s22 =	simm.s32 $0x1BFF;
	s21 =	sshll.u32 s6, $0x1;
	s3 =	sadd.s32 s4, s19  }
0x9c: {  	s7 =	simm.s32 $0x0;
	s20 =	sshll.u32 s5, $0x1;
	s5 =	sadd.s32 s21, s3  }
0x9d: {  	[timem:s7], [sflag:s22] =	dma.local [hbm:s5], s20  }
0x9e: {  	_ =	swait.ge [sflag:s22], s20  }
0x9f: {  	s4 =	ssub.s32 $0x0, s20;
	[sflag:s22] =	ssyncset.done $0x0  }
0xa0: {  	[sflag:s22] =	ssyncadd.s32 s4;
	_ =	sdelay $0x1  }
0xa1: {  	s23 =	simm.s32 $0x1B8B  }
0xa2: {  	_ =	swait.ge [sflag:s23], $0x1  }
0xa3: {  	[sflag:s23] =	ssyncset.done $0x0  }
0xa4: {  	s25 =	simm.s32 $0x1B8E;
	s24 =	sld [smem:$0x3FFE];
	[sflag:s23] =	ssyncadd.s32 $0xFFFFFFFF  }
0xa5: {  	s26 =	simm.s32 $execute0_lowered;
	[smem:$0x3FD2] =	sst s25  }
0xa6: {  	s5 =	sshll.u32 s26, $0x1;
	_ =	strace $0x80000046;
	[dreg:$0x1] =	wrdreg $0xFFFFFFFF  }
0xa7: {  	s28 =	simm.s32 $_size_execute0_lowered;
	s3 =	sadd.s32 s3, s5;
	[dreg:$0x0] =	wrdreg $0x0  }
0xa8: {  	s5 =	sshll.u32 s28, $0x1;
	[dreg:$0x2] =	wrdreg s3  }
0xa9: {  	[dreg:$0x3] =	wrdreg s5  }
0xaa: {  	[dreg:$0x4] =	wrdreg $0xC0  }
0xab: {  	_ =	task [dreg:s7], $0x5FFFF  }
0xac: {  	[dreg:$0x1] =	wrdreg $0xFFFFFFFF  }
0xad: {  	[dreg:$0x0] =	wrdreg $0x60  }
0xae: {  	[dreg:$0x2] =	wrdreg s2  }
0xaf: {  	[dreg:$0x3] =	wrdreg s24  }
0xb0: {  	[dreg:$0x4] =	wrdreg $0xC6000  }
0xb1: {  	[dreg:$0x5] =	wrdreg $0x9  }
0xb2: {  	_ =	task.clear_ibuf [dreg:s7], $0x6FFFF;
	_ =	strace $0x90000046  }
0xb3: {  	s29 =	simm.s32 $0x9;
	_ =	strace $0x80000048  }
0xb4: {  	_ =	swait.ge [sflag:s29], $0x1  }
0xb5: {  	[sflag:s29] =	ssyncadd.s32 $0xFFFFFFFF  }
0xb6: {  	_ =	strace $0x90000048  }
0xb7: {  	_ =	sfence  }
0xb8: {  	s30 =	sld [smem:$0x0];
	_ =	sdelay $0x2  }
0xb9: {  	s31 =	sshll.u32 s1, $0xD;
	s1 =	sshrl.u32 s1, $0x2  }
0xba: {  	s3 =	sand.u32 $0x4000, s31;
	s1 =	sadd.s32 s1, s30  }
0xbb: {  	s0 =	sor.u32 s3, s0;
	s1 =	sshll.u32 s1, $0x11  }
0xbc: {  	s0 =	sor.u32 s1, s0  }
0xbd: {  	s0 =	sadd.s32 $0x8F2B, s0  }
0xbe: {  	[sflag:s0] =	ssyncadd.remote.s32 $0x1  }
0xbf: {  	_ =	sfence.sel $0xFFFF  }
0xc0: {  	[dreg:$0x0] =	wrdreg $0xFFFFFFFF;
	(pc) =	sbr.abs _section_cstart, $3  }
0xc1: {  	[dreg:$0x1] =	wrdreg $0xFFFFFFFF  }
0xc2: {  	_ =	task.clear_ibuf [dreg:s7], $0x2FFFF;
	_ =	strace $0x9FFFFFFF  }
0xc3: {  	(tm) =	ssettm $0x7FFFFFFF  }
tec
execute0_lowered:
.L_overlay_start_1:
0x0: {  	(tag) =	ssettag $0x1  }
0x1: {  	s0 =	rddreg [dreg:$0x1]  }
0x2: {  	s2 =	rddreg [dreg:$0x2];
	s17 =	simm.s32 $0x0;
	s1 =	srdreg.scid  }
0x3: {  	s3 =	stileid.u32;
	s19 =	simm.s32 $0x200;
	s20 =	simm.s32 $0x400  }
0x4: {  	s21 =	simm.s32 $0x1;
	s22 =	simm.s32 $0x3;
	s23 =	simm.s32 $0x80  }
0x5: {  	s28 =	simm.s32 $0xBE00;
	s29 =	simm.s32 $0x2;
	[smem:$0x7FF] =	sst s17  }
0x6: {  	s1 =	sand.u32 $0x1, s1;
	s5 =	smul.u32 $0x13880, s3;
	s6 =	sadd.s32 $0xB800, s0  }
0x7: {  	s7 =	sadd.s32 $0x15800, s0;
	s8 =	sadd.s32 $0x1800, s0;
	s11 =	smul.u32 $0xA00, s3  }
0x8: {  	s9 =	sadd.s32 $0x1F800, s0;
	s10 =	sadd.s32 $0x6EE00, s0;
	s14 =	smul.u32 $0x4E200, s3  }
0x9: {  	_ =	strace $0x80000047;
	s4 =	smul.u32 $0x138800, s1;
	s12 =	ssub.s32 $0x2, s1  }
0xa: {  	p0 =	sne.s32 s1, $0x0;
	s13 =	sshrl.u32 s12, $0x1;
	s25 =	sshrl.u32 s14, $0x2  }
0xb: {  	s14 =	sshll.u32 s1, $0x2;
	s15 =	sadd.s32 s5, s2;
	s4 =	sadd.s32 s5, s4  }
0xc: {  	s12 =	ssub.s32 s12, s13;
	s26 =	sadd.s32 s25, s2;
	s4 =	sshrl.u32 s4, $0x3  }
0xd: {  	s31 =	smax.u32 s12, $0x1;
	s4 =	sadd.s32 s4, s0;
	s0 =	sadd.s32 s11, s0  }
0xe: {  	s25 =	simm.s32 $0xAE00;
	[dreg:$0x8] =	wrdreg s31;
	s24 =	sadd.s32 $0x1A7600, s0  }
0xf: {  	s16 =	sadd.s32 $0x9C40, s26;
	s0 =	sadd.s32 $0x1B1600, s0;
	[dreg:$0x5] =	wrdreg s24  }
0x10: {  	s26 =	simm.s32 $0xB600;
	s30 =	sadd.s32 $0x20C00, s4;
	[dreg:$0x6] =	wrdreg s0  }
0x11: {  	v0 =	vimm.f32 $1.000000000e+00;
	s11 =	smul.u32 $0x5000, s3;
	[dreg:$0x7] =	wrdreg s30;
	s24 =	simm.s32 $0xA600  }
.LBB2_1:
0x12: {  	[dreg:$0x4] =	wrdreg s17  }
0x13: {  	s0 =	simm.s32 $0x600;
	s1 =	simm.s32 $0x5600;
	s4 =	simm.s32 $0x0  }
.LBB2_2:
0x14: {  	s12 =	sshll.u32 s4, $0x9  }
0x15: {  	s12 =	sadd.s32 s11, s12  }
0x16: {  	s12 =	sshrl.u32 s12, $0x3  }
0x17: {  	s17 =	simm.s32 $0x0;
	s13 =	sadd.s32 s6, s12  }
0x18: {  	[tilespmem:s17], [sflag:$0x1] =	stream.linear.gather [hbm4b:s13+s17], $0x200, $0x38;
	[tilespmem:$0x1FE80] =	vst v63  }
0x19: {  	s31 =	sadd.s32 s7, s12  }
0x1a: {  	[tilespmem:s19], [sflag:$0x1] =	stream.linear.gather [hbm4b:s31+s17], $0x200, $0x38;
	[tilespmem:$0x1FE80] =	vst v63  }
0x1b: {  	s12 =	sadd.s32 s8, s12  }
0x1c: {  	[tilespmem:s20], [sflag:$0x1] =	stream.linear.gather [hbm4b:s12+s17], $0x200, $0x38;
	[tilespmem:$0x1FE80] =	vst v63  }
0x1d: {  	_ =	swait.ge [sflag:s21], $0x200  }
0x1e: {  	[sflag:s21] =	ssyncset.done $0x0  }
0x1f: {  	[sflag:s21] =	ssyncadd.s32 $0xFFFFFE00  }
0x20: {  	_ =	swait.ge [sflag:s21], $0x200  }
0x21: {  	[sflag:s21] =	ssyncset.done $0x0  }
0x22: {  	[sflag:s21] =	ssyncadd.s32 $0xFFFFFE00  }
0x23: {  	_ =	swait.ge [sflag:s21], $0x200  }
0x24: {  	[sflag:s21] =	ssyncset.done $0x0  }
0x25: {  	s12 =	simm.s32 $0x0;
	[sflag:s21] =	ssyncadd.s32 $0xFFFFFE00  }
0x26: {  	v2 =	vmov s1;
	v1 =	vmov s0;
	s13 =	simm.s32 $0x40;
	v3 =	vld [tilespmem:s12+$0x200]  }
.LBB2_3:
0x27: {  	p1 =	sne.s32 s13, $0x7C0;
	v4 =	vld [tilespmem:s12+$0x400];
	_ =	sdelay $0x2  }
0x28: {  	v5 =	vld [tilespmem:s12+$0x0]  }
0x29: {  	v3 =	vshll.u32 v3, $0x3  }
0x2a: {  	v3 =	vadd.s32 v4, v3  }
.Ltmp0:
0x2b: {  	vm0 =	vgt.s32 v3, $0x1387F;
	(pc) =	sbr.rel @p1 .LBB2_3-.Ltmp0, $4  }
0x2c: {  	v3 =	vsel vm0, $0xFFFFFFFF, v3  }
0x2d: {  	[tilespmem:v2+s12+$0x0 ss:$0x1] =	vst.idx.msk $0xffff, v3;
	v3 =	vsel vm0, $0xFFFFFFFF, v5  }
0x2e: {  	[tilespmem:v1+s12+$0x0 ss:$0x1] =	vst.idx.msk $0xffff, v3;
	s12 =	sshra.s32 s13, $0x2  }
0x2f: {  	s13 =	sadd.s32 $0x40, s13;
	v3 =	vld [tilespmem:s12+$0x200]  }
0x30: {  	v4 =	vld [tilespmem:s12+$0x400];
	_ =	sdelay $0x2  }
0x31: {  	v5 =	vld [tilespmem:s12+$0x0];
	s4 =	sadd.s32 $0x1, s4  }
0x32: {  	p1 =	sne.s32 s4, $0x28;
	v3 =	vshll.u32 v3, $0x3  }
.Ltmp1:
0x33: {  	v3 =	vadd.s32 v4, v3;
	(pc) =	sbr.rel @p1 .LBB2_2-.Ltmp1, $4  }
0x34: {  	vm0 =	vgt.s32 v3, $0x1387F  }
0x35: {  	v3 =	vsel vm0, $0xFFFFFFFF, v3  }
0x36: {  	[tilespmem:v2+s12+$0x0 ss:$0x1] =	vst.idx.msk $0xffff, v3;
	v2 =	vsel vm0, $0xFFFFFFFF, v5  }
0x37: {  	s0 =	sadd.s32 $0x200, s0;
	s1 =	sadd.s32 $0x200, s1;
	[tilespmem:v1+s12+$0x0 ss:$0x1] =	vst.idx.msk $0xffff, v2  }
0x38: {  	s0 =	simm.s32 @!p0 $0x0;
	s1 =	simm.s32 @!p0 $0x600;
	s3 =	rddreg [dreg:$0x5]  }
0x39: {  	[hbm4b:s3+s0] =	stream.linear.scatter @!p0 [tilespmem:s1], [sflag:$0x3], $0x5000, $0x38;
	[tilespmem:$0x1FE80] =	vst v63  }
0x3a: {  	s1 =	simm.s32 @!p0 $0x3  }
0x3b: {  	_ =	swait.ge @!p0 [sflag:s1], $0x5000  }
0x3c: {  	[sflag:s1] =	ssyncset.done @!p0 $0x0  }
0x3d: {  	s4 =	simm.s32 @!p0 $0x5600;
	s3 =	rddreg [dreg:$0x6];
	[sflag:s1] =	ssyncadd.s32 @!p0 $0xFFFFB000  }
0x3e: {  	[hbm4b:s3+s0] =	stream.linear.scatter @!p0 [tilespmem:s4], [sflag:$0x3], $0x5000, $0x38;
	[tilespmem:$0x1FE80] =	vst v63  }
0x3f: {  	_ =	swait.ge @!p0 [sflag:s1], $0x5000  }
0x40: {  	[sflag:s1] =	ssyncset.done @!p0 $0x0  }
0x41: {  	s0 =	simm.s32 $0x0;
	[sflag:s1] =	ssyncadd.s32 @!p0 $0xFFFFB000  }
.LBB2_6:
0x42: {  	s1 =	stileid.u32  }
0x43: {  	s1 =	sshll.u32 s1, $0x6  }
0x44: {  	[bflag:$0x0] =	sbarrier.arrive $0xFFFF;
	s31 =	sshrl.u32 s15, $0x3;
	s30 =	sor.u32 $0x1C03, s1  }
0x45: {  	[spmem:s31], [sflag:s30] =	dma.local [hbm:s9], $0x1388  }
0x46: {  	_ =	swait.ge [sflag:s22], $0x1388  }
0x47: {  	[sflag:s22] =	ssyncset.done $0x0  }
0x48: {  	s12 =	sshrl.u32 s16, $0x3;
	[sflag:s22] =	ssyncadd.s32 $0xFFFFEC78  }
0x49: {  	[spmem:s12], [sflag:s30] =	dma.local [hbm:s9], $0x1388  }
0x4a: {  	_ =	swait.ge [sflag:s22], $0x1388  }
0x4b: {  	[sflag:s22] =	ssyncset.done $0x0  }
0x4c: {  	s13 =	sadd.s32 s14, s0;
	[sflag:s22] =	ssyncadd.s32 $0xFFFFEC78  }
0x4d: {  	s18 =	smul.u32 $0x4E20, s13;
	[bflag:$0x0] =	sbarrier.arrive $0xFFFF  }
0x4e: {  	(ifvalue) =	ssetifvalue $0xFFFFFFFF;
	s3 =	rddreg [dreg:$0x0]  }
0x4f: {  	s4 =	simm.s32 $0x600;
	s17 =	sadd.s32 s3, s18;
	(ifvalue) =	ssetifvalue $0xFFFFFFFF  }
0x50: {  	[tilespmem:s24], [sflag:$0x1] =	stream.indirect.gather [hbm4b:s17+s23], $0x10, s4, s23, $0x40b8;
	[tilespmem:$0x1FE80] =	vst v63  }
0x51: {  	(ifvalue) =	ssetifvalue $0xFFFFFFFF  }
0x52: {  	s18 =	simm.s32 $0x680;
	(ifvalue) =	ssetifvalue $0xFFFFFFFF  }
0x53: {  	[tilespmem:s25], [sflag:$0x1] =	stream.indirect.gather [hbm4b:s17+s23], $0x10, s18, s23, $0x40b8;
	[tilespmem:$0x1FE80] =	vst v63  }
0x54: {  	(ifvalue) =	ssetifvalue $0xFFFFFFFF  }
0x55: {  	s3 =	simm.s32 $0x700;
	(ifvalue) =	ssetifvalue $0xFFFFFFFF  }
0x56: {  	[tilespmem:s26], [sflag:$0x1] =	stream.indirect.gather [hbm4b:s17+s23], $0x10, s3, s23, $0x40b8;
	[tilespmem:$0x1FE80] =	vst v63  }
0x57: {  	(ifvalue) =	ssetifvalue $0xFFFFFFFF  }
0x58: {  	s4 =	simm.s32 $0x780;
	(ifvalue) =	ssetifvalue $0xFFFFFFFF  }
0x59: {  	[tilespmem:s28], [sflag:$0x1] =	stream.indirect.gather [hbm4b:s17+s23], $0x10, s4, s23, $0x40b8;
	[tilespmem:$0x1FE80] =	vst v63  }
0x5a: {  	_ =	swait.ge [sflag:s21], $0x800  }
0x5b: {  	[sflag:s21] =	ssyncset.done $0x0  }
0x5c: {  	s18 =	simm.s32 $0x5600;
	[sflag:s21] =	ssyncadd.s32 $0xFFFFF800;
	(ifvalue) =	ssetifvalue $0xFFFFFFFF  }
0x5d: {  	[spmem:s2] =	stream.indirect.scatter.add.f32 [tilespmem:s24], [sflag:$0x2], $0x10, s18, s23, $0x40b8;
	[tilespmem:$0x1FE80] =	vst v63  }
0x5e: {  	_ =	swait.ge [sflag:s21], $0x800  }
0x5f: {  	[sflag:s21] =	ssyncset.done $0x0  }
0x60: {  	s3 =	simm.s32 $0x5680;
	[sflag:s21] =	ssyncadd.s32 $0xFFFFF800;
	(ifvalue) =	ssetifvalue $0xFFFFFFFF  }
0x61: {  	[spmem:s2] =	stream.indirect.scatter.add.f32 [tilespmem:s25], [sflag:$0x2], $0x10, s3, s23, $0x40b8;
	[tilespmem:$0x1FE80] =	vst v63  }
0x62: {  	_ =	swait.ge [sflag:s21], $0x800  }
0x63: {  	[sflag:s21] =	ssyncset.done $0x0  }
0x64: {  	s4 =	simm.s32 $0x5700;
	[sflag:s21] =	ssyncadd.s32 $0xFFFFF800;
	(ifvalue) =	ssetifvalue $0xFFFFFFFF  }
0x65: {  	[spmem:s2] =	stream.indirect.scatter.add.f32 [tilespmem:s26], [sflag:$0x2], $0x10, s4, s23, $0x40b8;
	[tilespmem:$0x1FE80] =	vst v63  }
0x66: {  	_ =	swait.ge [sflag:s21], $0x800  }
0x67: {  	[sflag:s21] =	ssyncset.done $0x0  }
0x68: {  	s18 =	simm.s32 $0x5780;
	[sflag:s21] =	ssyncadd.s32 $0xFFFFF800;
	(ifvalue) =	ssetifvalue $0xFFFFFFFF  }
0x69: {  	[spmem:s2] =	stream.indirect.scatter.add.f32 [tilespmem:s28], [sflag:$0x2], $0x10, s18, s23, $0x40b8;
	[tilespmem:$0x1FE80] =	vst v63  }
0x6a: {  	_ =	swait.ge [sflag:s29], $0x800  }
0x6b: {  	[sflag:s29] =	ssyncset.done $0x0  }
0x6c: {  	[sflag:s29] =	ssyncadd.s32 $0xFFFFF800  }
0x6d: {  	_ =	swait.ge [sflag:s29], $0x800  }
0x6e: {  	[sflag:s29] =	ssyncset.done $0x0  }
0x6f: {  	[sflag:s29] =	ssyncadd.s32 $0xFFFFF800  }
0x70: {  	_ =	swait.ge [sflag:s29], $0x800  }
0x71: {  	[sflag:s29] =	ssyncset.done $0x0  }
0x72: {  	[sflag:s29] =	ssyncadd.s32 $0xFFFFF800  }
0x73: {  	s4 =	simm.s32 $0x1000;
	_ =	swait.ge [sflag:s29], $0x800  }
0x74: {  	s18 =	simm.s32 $0x200;
	(ifvalue) =	ssetifvalue $0xFFFFFFFF;
	[sflag:s29] =	ssyncset.done $0x0  }
.LBB2_7:
0x75: {  	s3 =	sadd.s32 $0x600, s18  }
0x76: {  	(ifvalue) =	ssetifvalue $0xFFFFFFFF;
	[sflag:s29] =	ssyncadd.s32 $0xFFFFF800;
	s1 =	smov.u32 s4  }
0x77: {  	[tilespmem:s24], [sflag:$0x1] =	stream.indirect.gather [hbm4b:s17+s23], $0x10, s3, s23, $0x40b8;
	[tilespmem:$0x1FE80] =	vst v63  }
0x78: {  	p1 =	sne.s32 s4, $0x13800;
	s4 =	sadd.s32 $0x800, s4;
	(ifvalue) =	ssetifvalue $0xFFFFFFFF  }
0x79: {  	s3 =	sadd.s32 $0x680, s18;
	(ifvalue) =	ssetifvalue $0xFFFFFFFF  }
0x7a: {  	[tilespmem:s25], [sflag:$0x1] =	stream.indirect.gather [hbm4b:s17+s23], $0x10, s3, s23, $0x40b8;
	[tilespmem:$0x1FE80] =	vst v63  }
0x7b: {  	(ifvalue) =	ssetifvalue $0xFFFFFFFF  }
0x7c: {  	s3 =	sadd.s32 $0x700, s18;
	(ifvalue) =	ssetifvalue $0xFFFFFFFF  }
0x7d: {  	[tilespmem:s26], [sflag:$0x1] =	stream.indirect.gather [hbm4b:s17+s23], $0x10, s3, s23, $0x40b8;
	[tilespmem:$0x1FE80] =	vst v63  }
0x7e: {  	(ifvalue) =	ssetifvalue $0xFFFFFFFF  }
0x7f: {  	s3 =	sadd.s32 $0x780, s18;
	(ifvalue) =	ssetifvalue $0xFFFFFFFF  }
0x80: {  	[tilespmem:s28], [sflag:$0x1] =	stream.indirect.gather [hbm4b:s17+s23], $0x10, s3, s23, $0x40b8;
	[tilespmem:$0x1FE80] =	vst v63  }
0x81: {  	_ =	swait.ge [sflag:s21], $0x800  }
0x82: {  	[sflag:s21] =	ssyncset.done $0x0  }
0x83: {  	[sflag:s21] =	ssyncadd.s32 $0xFFFFF800  }
0x84: {  	s3 =	sadd.s32 $0x5600, s18;
	(ifvalue) =	ssetifvalue $0xFFFFFFFF  }
0x85: {  	[spmem:s2] =	stream.indirect.scatter.add.f32 [tilespmem:s24], [sflag:$0x2], $0x10, s3, s23, $0x40b8;
	[tilespmem:$0x1FE80] =	vst v63  }
0x86: {  	_ =	swait.ge [sflag:s21], $0x800  }
0x87: {  	[sflag:s21] =	ssyncset.done $0x0  }
0x88: {  	[sflag:s21] =	ssyncadd.s32 $0xFFFFF800  }
0x89: {  	s3 =	sadd.s32 $0x5680, s18;
	(ifvalue) =	ssetifvalue $0xFFFFFFFF  }
0x8a: {  	[spmem:s2] =	stream.indirect.scatter.add.f32 [tilespmem:s25], [sflag:$0x2], $0x10, s3, s23, $0x40b8;
	[tilespmem:$0x1FE80] =	vst v63  }
0x8b: {  	_ =	swait.ge [sflag:s21], $0x800  }
0x8c: {  	[sflag:s21] =	ssyncset.done $0x0  }
0x8d: {  	[sflag:s21] =	ssyncadd.s32 $0xFFFFF800  }
0x8e: {  	s3 =	sadd.s32 $0x5700, s18;
	(ifvalue) =	ssetifvalue $0xFFFFFFFF  }
0x8f: {  	[spmem:s2] =	stream.indirect.scatter.add.f32 [tilespmem:s26], [sflag:$0x2], $0x10, s3, s23, $0x40b8;
	[tilespmem:$0x1FE80] =	vst v63  }
0x90: {  	_ =	swait.ge [sflag:s21], $0x800  }
0x91: {  	[sflag:s21] =	ssyncset.done $0x0  }
0x92: {  	[sflag:s21] =	ssyncadd.s32 $0xFFFFF800  }
0x93: {  	s3 =	sadd.s32 $0x5780, s18;
	(ifvalue) =	ssetifvalue $0xFFFFFFFF  }
0x94: {  	[spmem:s2] =	stream.indirect.scatter.add.f32 [tilespmem:s28], [sflag:$0x2], $0x10, s3, s23, $0x40b8;
	[tilespmem:$0x1FE80] =	vst v63  }
0x95: {  	_ =	swait.ge [sflag:s29], $0x800  }
0x96: {  	[sflag:s29] =	ssyncset.done $0x0  }
0x97: {  	[sflag:s29] =	ssyncadd.s32 $0xFFFFF800  }
0x98: {  	_ =	swait.ge [sflag:s29], $0x800  }
0x99: {  	[sflag:s29] =	ssyncset.done $0x0  }
0x9a: {  	[sflag:s29] =	ssyncadd.s32 $0xFFFFF800  }
.Ltmp2:
0x9b: {  	_ =	swait.ge [sflag:s29], $0x800;
	(pc) =	sbr.rel @p1 .LBB2_7-.Ltmp2, $4  }
0x9c: {  	[sflag:s29] =	ssyncset.done $0x0  }
0x9d: {  	[sflag:s29] =	ssyncadd.s32 $0xFFFFF800  }
0x9e: {  	_ =	swait.ge [sflag:s29], $0x800  }
0x9f: {  	s18 =	sshra.s32 s1, $0x2;
	(ifvalue) =	ssetifvalue $0xFFFFFFFF;
	[sflag:s29] =	ssyncset.done $0x0  }
0xa0: {  	(ifvalue) =	ssetifvalue $0xFFFFFFFF;
	s1 =	sadd.s32 $0x600, s18;
	[sflag:s29] =	ssyncadd.s32 $0xFFFFF800  }
0xa1: {  	[tilespmem:s24], [sflag:$0x1] =	stream.indirect.gather [hbm4b:s17+s23], $0x10, s1, s23, $0x40b8;
	[tilespmem:$0x1FE80] =	vst v63  }
0xa2: {  	(ifvalue) =	ssetifvalue $0xFFFFFFFF  }
0xa3: {  	s4 =	sadd.s32 $0x680, s18;
	(ifvalue) =	ssetifvalue $0xFFFFFFFF  }
0xa4: {  	[tilespmem:s25], [sflag:$0x1] =	stream.indirect.gather [hbm4b:s17+s23], $0x10, s4, s23, $0x40b8;
	[tilespmem:$0x1FE80] =	vst v63  }
0xa5: {  	(ifvalue) =	ssetifvalue $0xFFFFFFFF  }
0xa6: {  	s3 =	sadd.s32 $0x700, s18;
	(ifvalue) =	ssetifvalue $0xFFFFFFFF  }
0xa7: {  	[tilespmem:s26], [sflag:$0x1] =	stream.indirect.gather [hbm4b:s17+s23], $0x10, s3, s23, $0x40b8;
	[tilespmem:$0x1FE80] =	vst v63  }
0xa8: {  	(ifvalue) =	ssetifvalue $0xFFFFFFFF  }
0xa9: {  	s4 =	sadd.s32 $0x780, s18;
	(ifvalue) =	ssetifvalue $0xFFFFFFFF  }
0xaa: {  	[tilespmem:s28], [sflag:$0x1] =	stream.indirect.gather [hbm4b:s17+s23], $0x10, s4, s23, $0x40b8;
	[tilespmem:$0x1FE80] =	vst v63  }
0xab: {  	_ =	swait.ge [sflag:s21], $0x800  }
0xac: {  	[sflag:s21] =	ssyncset.done $0x0  }
0xad: {  	s17 =	sadd.s32 $0x5600, s18;
	[sflag:s21] =	ssyncadd.s32 $0xFFFFF800;
	(ifvalue) =	ssetifvalue $0xFFFFFFFF  }
0xae: {  	[spmem:s2] =	stream.indirect.scatter.add.f32 [tilespmem:s24], [sflag:$0x2], $0x10, s17, s23, $0x40b8;
	[tilespmem:$0x1FE80] =	vst v63  }
0xaf: {  	_ =	swait.ge [sflag:s21], $0x800  }
0xb0: {  	[sflag:s21] =	ssyncset.done $0x0  }
0xb1: {  	s3 =	sadd.s32 $0x5680, s18;
	[sflag:s21] =	ssyncadd.s32 $0xFFFFF800;
	(ifvalue) =	ssetifvalue $0xFFFFFFFF  }
0xb2: {  	[spmem:s2] =	stream.indirect.scatter.add.f32 [tilespmem:s25], [sflag:$0x2], $0x10, s3, s23, $0x40b8;
	[tilespmem:$0x1FE80] =	vst v63  }
0xb3: {  	_ =	swait.ge [sflag:s21], $0x800  }
0xb4: {  	[sflag:s21] =	ssyncset.done $0x0  }
0xb5: {  	s4 =	sadd.s32 $0x5700, s18;
	[sflag:s21] =	ssyncadd.s32 $0xFFFFF800;
	(ifvalue) =	ssetifvalue $0xFFFFFFFF  }
0xb6: {  	[spmem:s2] =	stream.indirect.scatter.add.f32 [tilespmem:s26], [sflag:$0x2], $0x10, s4, s23, $0x40b8;
	[tilespmem:$0x1FE80] =	vst v63  }
0xb7: {  	_ =	swait.ge [sflag:s21], $0x800  }
0xb8: {  	[sflag:s21] =	ssyncset.done $0x0  }
0xb9: {  	s17 =	sadd.s32 $0x5780, s18;
	[sflag:s21] =	ssyncadd.s32 $0xFFFFF800;
	(ifvalue) =	ssetifvalue $0xFFFFFFFF  }
0xba: {  	[spmem:s2] =	stream.indirect.scatter.add.f32 [tilespmem:s28], [sflag:$0x2], $0x10, s17, s23, $0x40b8;
	[tilespmem:$0x1FE80] =	vst v63  }
0xbb: {  	_ =	swait.ge [sflag:s29], $0x800  }
0xbc: {  	[sflag:s29] =	ssyncset.done $0x0  }
0xbd: {  	[sflag:s29] =	ssyncadd.s32 $0xFFFFF800  }
0xbe: {  	_ =	swait.ge [sflag:s29], $0x800  }
0xbf: {  	[sflag:s29] =	ssyncset.done $0x0  }
0xc0: {  	[sflag:s29] =	ssyncadd.s32 $0xFFFFF800  }
0xc1: {  	_ =	swait.ge [sflag:s29], $0x800  }
0xc2: {  	[sflag:s29] =	ssyncset.done $0x0  }
0xc3: {  	s18 =	smul.u32 $0x138800, s13;
	[sflag:s29] =	ssyncadd.s32 $0xFFFFF800  }
0xc4: {  	_ =	swait.ge [sflag:s29], $0x800  }
0xc5: {  	s0 =	sadd.s32 $0x1, s0;
	s1 =	sadd.s32 s5, s18;
	[sflag:s29] =	ssyncset.done $0x0  }
0xc6: {  	p1 =	sne.s32 s0, $0x4;
	s1 =	sshrl.u32 s1, $0x3;
	[sflag:s29] =	ssyncadd.s32 $0xFFFFF800  }
.Ltmp3:
0xc7: {  	s1 =	sadd.s32 s10, s1;
	[bflag:$0x0] =	sbarrier.arrive $0xFFFF;
	(pc) =	sbr.rel @p1 .LBB2_6-.Ltmp3, $4  }
0xc8: {  	[hbm:s1], [sflag:s30] =	dma.local [spmem:s31], $0x2710  }
0xc9: {  	_ =	swait.ge [sflag:s22], $0x2710  }
0xca: {  	[sflag:s22] =	ssyncset.done $0x0  }
0xcb: {  	[sflag:s22] =	ssyncadd.s32 $0xFFFFD8F0  }
0xcc: {  	[bflag:$0x0] =	sbarrier.arrive $0xFFFF  }
0xcd: {  	[spmem:s31], [sflag:s30] =	dma.local [hbm:s9], $0x1388  }
0xce: {  	_ =	swait.ge [sflag:s22], $0x1388  }
0xcf: {  	[sflag:s22] =	ssyncset.done $0x0  }
0xd0: {  	[sflag:s22] =	ssyncadd.s32 $0xFFFFEC78  }
0xd1: {  	[spmem:s12], [sflag:s30] =	dma.local [hbm:s9], $0x1388  }
0xd2: {  	_ =	swait.ge [sflag:s22], $0x1388  }
0xd3: {  	s0 =	simm.s32 $0x40;
	[sflag:s22] =	ssyncset.done $0x0  }
0xd4: {  	s1 =	simm.s32 $0x0;
	s17 =	rddreg [dreg:$0x4];
	[sflag:s22] =	ssyncadd.s32 $0xFFFFEC78  }
.LBB2_10:
0xd5: {  	p1 =	sne.s32 s0, $0x1FC0;
	[tilespmem:s1+$0xA600] =	vst v0;
	s1 =	smov.u32 s0;
	s0 =	sadd.s32 $0x40, s0  }
.Ltmp4:
0xd6: {  	(pc) =	sbr.rel @p1 .LBB2_10-.Ltmp4, $2  }
0xd7: {  	_ =	sdelay $0x2  }
0xd8: {  	s1 =	sshra.s32 s1, $0x2  }
0xd9: {  	[tilespmem:s1+$0xA600] =	vst v0  }
0xda: {  	[bflag:$0x0] =	sbarrier.arrive $0xFFFF  }
0xdb: {  	(ifvalue) =	ssetifvalue $0xFFFFFFFF  }
0xdc: {  	s0 =	simm.s32 $0x5600;
	(ifvalue) =	ssetifvalue $0xFFFFFFFF  }
0xdd: {  	[spmem:s2] =	stream.indirect.scatter.add.f32 [tilespmem:s24], [sflag:$0x2], $0x10, s0, s23, $0x40b8;
	[tilespmem:$0x1FE80] =	vst v63  }
0xde: {  	s12 =	simm.s32 $0x5680;
	(ifvalue) =	ssetifvalue $0xFFFFFFFF  }
0xdf: {  	[spmem:s2] =	stream.indirect.scatter.add.f32 [tilespmem:s24], [sflag:$0x2], $0x10, s12, s23, $0x40b8;
	[tilespmem:$0x1FE80] =	vst v63  }
0xe0: {  	s13 =	simm.s32 $0x5700;
	(ifvalue) =	ssetifvalue $0xFFFFFFFF  }
0xe1: {  	[spmem:s2] =	stream.indirect.scatter.add.f32 [tilespmem:s24], [sflag:$0x2], $0x10, s13, s23, $0x40b8;
	[tilespmem:$0x1FE80] =	vst v63  }
0xe2: {  	s18 =	simm.s32 $0x5780;
	(ifvalue) =	ssetifvalue $0xFFFFFFFF  }
0xe3: {  	[spmem:s2] =	stream.indirect.scatter.add.f32 [tilespmem:s24], [sflag:$0x2], $0x10, s18, s23, $0x40b8;
	[tilespmem:$0x1FE80] =	vst v63  }
0xe4: {  	_ =	swait.ge [sflag:s29], $0x800  }
0xe5: {  	[sflag:s29] =	ssyncset.done $0x0  }
0xe6: {  	[sflag:s29] =	ssyncadd.s32 $0xFFFFF800  }
0xe7: {  	_ =	swait.ge [sflag:s29], $0x800  }
0xe8: {  	[sflag:s29] =	ssyncset.done $0x0  }
0xe9: {  	[sflag:s29] =	ssyncadd.s32 $0xFFFFF800  }
0xea: {  	_ =	swait.ge [sflag:s29], $0x800  }
0xeb: {  	[sflag:s29] =	ssyncset.done $0x0  }
0xec: {  	[sflag:s29] =	ssyncadd.s32 $0xFFFFF800  }
0xed: {  	_ =	swait.ge [sflag:s29], $0x800  }
0xee: {  	s1 =	simm.s32 $0x1000;
	s0 =	simm.s32 $0x200;
	[sflag:s29] =	ssyncset.done $0x0  }
.LBB2_12:
0xef: {  	(ifvalue) =	ssetifvalue $0xFFFFFFFF  }
0xf0: {  	s3 =	sadd.s32 $0x5600, s0;
	[sflag:s29] =	ssyncadd.s32 $0xFFFFF800;
	s4 =	smov.u32 s1  }
0xf1: {  	[spmem:s2] =	stream.indirect.scatter.add.f32 [tilespmem:s24], [sflag:$0x2], $0x10, s3, s23, $0x40b8;
	[tilespmem:$0x1FE80] =	vst v63  }
0xf2: {  	s12 =	sadd.s32 $0x5680, s0;
	s3 =	sadd.s32 $0x800, s1;
	(ifvalue) =	ssetifvalue $0xFFFFFFFF  }
0xf3: {  	[spmem:s2] =	stream.indirect.scatter.add.f32 [tilespmem:s24], [sflag:$0x2], $0x10, s12, s23, $0x40b8;
	[tilespmem:$0x1FE80] =	vst v63  }
0xf4: {  	p1 =	sne.s32 s1, $0x13800;
	s1 =	sadd.s32 $0x5700, s0;
	(ifvalue) =	ssetifvalue $0xFFFFFFFF  }
0xf5: {  	[spmem:s2] =	stream.indirect.scatter.add.f32 [tilespmem:s24], [sflag:$0x2], $0x10, s1, s23, $0x40b8;
	[tilespmem:$0x1FE80] =	vst v63  }
0xf6: {  	s0 =	sadd.s32 $0x5780, s0;
	(ifvalue) =	ssetifvalue $0xFFFFFFFF  }
0xf7: {  	[spmem:s2] =	stream.indirect.scatter.add.f32 [tilespmem:s24], [sflag:$0x2], $0x10, s0, s23, $0x40b8;
	[tilespmem:$0x1FE80] =	vst v63  }
0xf8: {  	_ =	swait.ge [sflag:s29], $0x800  }
0xf9: {  	[sflag:s29] =	ssyncset.done $0x0  }
0xfa: {  	[sflag:s29] =	ssyncadd.s32 $0xFFFFF800  }
0xfb: {  	_ =	swait.ge [sflag:s29], $0x800  }
0xfc: {  	[sflag:s29] =	ssyncset.done $0x0  }
0xfd: {  	[sflag:s29] =	ssyncadd.s32 $0xFFFFF800  }
.Ltmp5:
0xfe: {  	_ =	swait.ge [sflag:s29], $0x800;
	(pc) =	sbr.rel @p1 .LBB2_12-.Ltmp5, $4  }
0xff: {  	[sflag:s29] =	ssyncset.done $0x0  }
0x100: {  	[sflag:s29] =	ssyncadd.s32 $0xFFFFF800  }
0x101: {  	_ =	swait.ge [sflag:s29], $0x800  }
0x102: {  	s1 =	smov.u32 s3;
	s0 =	sshra.s32 s4, $0x2;
	[sflag:s29] =	ssyncset.done $0x0  }
0x103: {  	s1 =	sadd.s32 $0x5600, s0;
	[sflag:s29] =	ssyncadd.s32 $0xFFFFF800  }
0x104: {  	[spmem:s2] =	stream.indirect.scatter.add.f32 [tilespmem:s24], [sflag:$0x2], $0x10, s1, s23, $0x40b8;
	[tilespmem:$0x1FE80] =	vst v63  }
0x105: {  	s4 =	sadd.s32 $0x5680, s0;
	(ifvalue) =	ssetifvalue $0xFFFFFFFF  }
0x106: {  	[spmem:s2] =	stream.indirect.scatter.add.f32 [tilespmem:s24], [sflag:$0x2], $0x10, s4, s23, $0x40b8;
	[tilespmem:$0x1FE80] =	vst v63  }
0x107: {  	s12 =	sadd.s32 $0x5700, s0;
	(ifvalue) =	ssetifvalue $0xFFFFFFFF  }
0x108: {  	[spmem:s2] =	stream.indirect.scatter.add.f32 [tilespmem:s24], [sflag:$0x2], $0x10, s12, s23, $0x40b8;
	[tilespmem:$0x1FE80] =	vst v63  }
0x109: {  	s13 =	sadd.s32 $0x5780, s0;
	(ifvalue) =	ssetifvalue $0xFFFFFFFF  }
0x10a: {  	[spmem:s2] =	stream.indirect.scatter.add.f32 [tilespmem:s24], [sflag:$0x2], $0x10, s13, s23, $0x40b8;
	[tilespmem:$0x1FE80] =	vst v63  }
0x10b: {  	_ =	swait.ge [sflag:s29], $0x800  }
0x10c: {  	[sflag:s29] =	ssyncset.done $0x0  }
0x10d: {  	[sflag:s29] =	ssyncadd.s32 $0xFFFFF800  }
0x10e: {  	_ =	swait.ge [sflag:s29], $0x800  }
0x10f: {  	[sflag:s29] =	ssyncset.done $0x0  }
0x110: {  	[sflag:s29] =	ssyncadd.s32 $0xFFFFF800  }
0x111: {  	_ =	swait.ge [sflag:s29], $0x800  }
0x112: {  	[sflag:s29] =	ssyncset.done $0x0  }
0x113: {  	[sflag:s29] =	ssyncadd.s32 $0xFFFFF800  }
0x114: {  	_ =	swait.ge [sflag:s29], $0x800  }
0x115: {  	[sflag:s29] =	ssyncset.done $0x0  }
0x116: {  	[sflag:s29] =	ssyncadd.s32 $0xFFFFF800  }
0x117: {  	[bflag:$0x0] =	sbarrier.arrive $0xFFFF  }
0x118: {  	s18 =	rddreg [dreg:$0x7]  }
0x119: {  	[hbm:s18], [sflag:s30] =	dma.local [spmem:s31], $0x2710  }
0x11a: {  	_ =	swait.ge [sflag:s22], $0x2710  }
0x11b: {  	s17 =	sadd.s32 $0x1, s17;
	s31 =	rddreg [dreg:$0x8]  }
0x11c: {  	p1 =	sne.s32 s17, s31  }
.Ltmp6:
0x11d: {  	_ = 	snop;
	(pc) =	sbr.rel @p1 .LBB2_1-.Ltmp6, $3  }
0x11e: {  	_ =	sdelay $0x1  }
0x11f: {  	[sflag:s22] =	ssyncset.done $0x0  }
0x120: {  	[sflag:s22] =	ssyncadd.s32 $0xFFFFD8F0  }
0x121: {  	_ =	sfence.sel $0x180000  }
0x122: {  	[bflag:$0x0] =	sbarrier.arrive $0xFFFF  }
0x123: {  	_ =	strace $0x90000047  }
0x124: {  	s0 =	stileid.u32;
	[bflag:$0x2] =	sbarrier.arrive $0xFFFF  }
0x125: {  	p0 =	sne.s32 s0, $0x0;
	s0 =	rddreg [dreg:$0x3]  }
0x126: {  	s0 =	sadd.s32 @!p0 $0x100000, s0  }
0x127: {  	[sflag:s0] =	ssyncadd.tile.s32 @!p0 $0x1;
	_ =	shalt  }
.Lfunc_end2:
_tile_overlayer_lowered:
.L_overlay_start_2:
0x128: {  	(tag) =	ssettag $0x2  }
0x129: {  	s0 =	rddreg [dreg:$0x0];
	s2 =	stileid.u32  }
0x12a: {  	s1 =	rddreg [dreg:$0x1];
	p0 =	sne.s32 s2, $0x0  }
0x12b: {  	s3 =	rddreg [dreg:$0x2];
	[bflag:$0x3] =	sbarrier.arrive $0xFFFF;
	s2 =	simm.s32 @!p0 $0x1C03  }
0x12c: {  	[timem:s3], [sflag:s2] =	dma.local @!p0 [hbm:s0], s1  }
0x12d: {  	s0 =	simm.s32 @!p0 $0x3  }
0x12e: {  	_ =	swait.ge @!p0 [sflag:s0], s1  }
0x12f: {  	s1 =	ssub.s32 @!p0 $0x0, s1;
	[sflag:s0] =	ssyncset.done @!p0 $0x0  }
0x130: {  	[sflag:s0] =	ssyncadd.s32 @!p0 s1  }
0x131: {  	[bflag:$0x3] =	sbarrier.arrive $0xFFFF  }
0x132: {  	_ =	shalt  }

// kernel: kernel.9.cloned.1.call-start
scs
__scs_entry_jumppad:
0x0: {  	(pc) =	sbr.rel $0x88, $3  }
0x1: {  	(tag) =	ssettag $0x0;
	lr =	simm.s32 $0x1  }
0x2: {  	[smem:$0x3F98] =	sst lr;
	_ =	strace $0xD0000000  }
0x3: {  	_ = 	snop  }
0x4: {  	_ = 	snop  }
0x5: {  	_ = 	snop  }
0x6: {  	_ = 	snop  }
0x7: {  	_ = 	snop  }
__scs_overlays_trampoline_lowered:
0x8: {  	[smem:$0x3FA7] =	sst s0  }
0x9: {  	[smem:$0x3FA8] =	sst s1  }
0xa: {  	[smem:$0x3FA9] =	sst s2  }
0xb: {  	[smem:$0x3FAA] =	sst s3  }
0xc: {  	[smem:$0x3FAB] =	sst s4  }
0xd: {  	[smem:$0x3FAC] =	sst s5  }
0xe: {  	[smem:$0x3FAD] =	sst s6  }
0xf: {  	[smem:$0x3FAE] =	sst s7  }
0x10: {  	[smem:$0x3FAF] =	sst s8  }
0x11: {  	[smem:$0x3FB0] =	sst s9;
	s0 =	simm.s32 @!p0 $0x0  }
0x12: {  	s1 =	sld [smem:$0x3F96];
	s0 =	simm.s32 @p0 $0x1  }
0x13: {  	[smem:$0x3FB1] =	sst s0;
	s0 =	simm.s32 @!p1 $0x0  }
0x14: {  	s2 =	sld [smem:$0x3F95];
	s0 =	simm.s32 @p1 $0x1  }
0x15: {  	[smem:$0x3FB2] =	sst s0;
	s0 =	simm.s32 @!p2 $0x0  }
0x16: {  	s3 =	sld [smem:$0x3FDB];
	s0 =	simm.s32 @p2 $0x1  }
0x17: {  	s4 =	simm.s32 $0x1BF5;
	[smem:$0x3FB4] =	sst s0  }
0x18: {  	s0 =	sld [smem:$0x3F97];
	_ =	swait.ge [sflag:s4], $0x0  }
0x19: {  	s7 =	sld [smem:$0x3F98]  }
0x1a: {  	s8 =	sadd.s32 $0xFFFFE003, lr  }
0x1b: {  	s9 =	sadd.s32 $0xFFFFFEF7, lr;
	s5 =	simm.s32 $0xFFFFFFFF;
	p2 =	slt.u32 s8, $0xFFFFF086  }
0x1c: {  	p1 =	slt.u32 s9, $0xF7A;
	s5 =	simm.s32 @!p2 $0x0  }
0x1d: {  	s5 =	simm.s32 @p1 $0x1;
	p0 =	seq.s32 s7, s2  }
0x1e: {  	s7 =	smul.u32 @!p0 $0xF7A, s2;
	p2 =	seq.s32 @!p0 s5, $0x0  }
0x1f: {  	s9 =	smul.u32 $0xF7A, s1;
	s8 =	simm.s32 @!p0 $0x1BF5;
	p2 =	por !p2, p0  }
0x20: {  	[sflag:s8] =	ssyncset.s32 @!p0 $0xFFFFF086;
	s6 =	sadd.s32 @!p0 s3, s7;
	s7 =	simm.s32 @!p0 $0x108  }
0x21: {  	s3 =	sadd.s32 s3, s9;
	s6 =	sadd.s32 @!p0 $0x88, s6;
	s7 =	simm.s32 @p2 $0x1082  }
0x22: {  	[simem:s7], [sflag:s8] =	dma.local @!p0 [hbm:s6], $0xF7A  }
0x23: {  	s9 =	sor.u32 $0xD0000000, s2;
	s6 =	simm.s32 $0x108;
	_ =	swait.ge @!p0 [sflag:s8], $0x0  }
0x24: {  	s3 =	sadd.s32 $0x88, s3;
	s6 =	simm.s32 @!p1 $0x1082;
	[sflag:s4] =	ssyncset.s32 $0xFFFFF086  }
0x25: {  	[simem:s6], [sflag:s4] =	dma.local [hbm:s3], $0xF7A  }
0x26: {  	[smem:$0x3F98] =	sst s1;
	(tag) =	ssettag s2;
	_ =	strace s9  }
0x27: {  	s1 =	sld [smem:$0x3FA8]  }
0x28: {  	s2 =	sld [smem:$0x3FA9]  }
0x29: {  	s4 =	sld [smem:$0x3FAB]  }
0x2a: {  	p0 =	seq.s32 s5, $0x0;
	s5 =	sld [smem:$0x3FAC]  }
0x2b: {  	s6 =	sld [smem:$0x3FAD]  }
0x2c: {  	s7 =	sld [smem:$0x3FAE]  }
0x2d: {  	s3 =	simm.s32 $0x108;
	s8 =	sld [smem:$0x3FAF]  }
0x2e: {  	s3 =	simm.s32 @!p0 $0x1082;
	s9 =	sld [smem:$0x3FB0]  }
0x2f: {  	lr =	sadd.s32 s0, s3;
	s0 =	sld [smem:$0x3FA7]  }
0x30: {  	s3 =	sld [smem:$0x3FAA]  }
0x31: {  	[smem:$0x3FB3] =	sst s10  }
0x32: {  	s10 =	sld [smem:$0x3FB1];
	_ =	sdelay $0x3  }
0x33: {  	p0 =	seq.s32 s10, $0x1;
	s10 =	sld [smem:$0x3FB3];
	_ =	sdelay $0x3  }
0x34: {  	[smem:$0x3FB3] =	sst s10  }
0x35: {  	s10 =	sld [smem:$0x3FB2];
	_ =	sdelay $0x3  }
0x36: {  	p1 =	seq.s32 s10, $0x1;
	s10 =	sld [smem:$0x3FB3];
	_ =	sdelay $0x3  }
0x37: {  	[smem:$0x3FB3] =	sst s10  }
0x38: {  	s10 =	sld [smem:$0x3FB4]  }
0x39: {  	_ = 	snop;
	(pc) =	sbr.ind lr, $3  }
0x3a: {  	_ = 	snop  }
0x3b: {  	_ = 	snop  }
0x3c: {  	p2 =	seq.s32 s10, $0x1;
	s10 =	sld [smem:$0x3FB3]  }
0x3d: {  	_ =	shalt  }
0x3e: {  	_ =	shalt  }
0x3f: {  	_ =	shalt  }
0x40: {  	_ =	shalt  }
0x41: {  	_ =	shalt  }
0x42: {  	_ =	shalt  }
0x43: {  	_ =	shalt  }
0x44: {  	_ =	shalt  }
0x45: {  	_ =	shalt  }
0x46: {  	_ =	shalt  }
0x47: {  	_ =	shalt  }
0x48: {  	_ =	shalt  }
0x49: {  	_ =	shalt  }
0x4a: {  	_ =	shalt  }
0x4b: {  	_ =	shalt  }
0x4c: {  	_ =	shalt  }
0x4d: {  	_ =	shalt  }
0x4e: {  	_ =	shalt  }
0x4f: {  	_ =	shalt  }
0x50: {  	_ =	shalt  }
0x51: {  	_ =	shalt  }
0x52: {  	_ =	shalt  }
0x53: {  	_ =	shalt  }
0x54: {  	_ =	shalt  }
0x55: {  	_ =	shalt  }
0x56: {  	_ =	shalt  }
0x57: {  	_ =	shalt  }
0x58: {  	_ =	shalt  }
0x59: {  	_ =	shalt  }
0x5a: {  	_ =	shalt  }
0x5b: {  	_ =	shalt  }
0x5c: {  	_ =	shalt  }
0x5d: {  	_ =	shalt  }
0x5e: {  	_ =	shalt  }
0x5f: {  	_ =	shalt  }
0x60: {  	_ =	shalt  }
0x61: {  	_ =	shalt  }
0x62: {  	_ =	shalt  }
0x63: {  	_ =	shalt  }
0x64: {  	_ =	shalt  }
0x65: {  	_ =	shalt  }
0x66: {  	_ =	shalt  }
0x67: {  	_ =	shalt  }
0x68: {  	_ =	shalt  }
0x69: {  	_ =	shalt  }
0x6a: {  	_ =	shalt  }
0x6b: {  	_ =	shalt  }
0x6c: {  	_ =	shalt  }
0x6d: {  	_ =	shalt  }
0x6e: {  	_ =	shalt  }
0x6f: {  	_ =	shalt  }
0x70: {  	_ =	shalt  }
0x71: {  	_ =	shalt  }
0x72: {  	_ =	shalt  }
0x73: {  	_ =	shalt  }
0x74: {  	_ =	shalt  }
0x75: {  	_ =	shalt  }
0x76: {  	_ =	shalt  }
0x77: {  	_ =	shalt  }
0x78: {  	_ =	shalt  }
0x79: {  	_ =	shalt  }
0x7a: {  	_ =	shalt  }
0x7b: {  	_ =	shalt  }
0x7c: {  	_ =	shalt  }
0x7d: {  	_ =	shalt  }
0x7e: {  	_ =	shalt  }
0x7f: {  	_ =	shalt  }
0x80: {  	_ =	shalt  }
0x81: {  	_ =	shalt  }
0x82: {  	_ =	shalt  }
0x83: {  	_ =	shalt  }
0x84: {  	_ =	shalt  }
0x85: {  	_ =	shalt  }
0x86: {  	_ =	shalt  }
0x87: {  	_ =	shalt  }
.Lfunc_end0:
.L_simem_size_0:
called_computation.1_lowered:
.L_overlay_start_0:
0x88: {  	s2 =	sld [smem:$0x3FD9]  }
0x89: {  	s3 =	sld [smem:$0x3FFE];
	_ =	sdelay $0x1  }
0x8a: {  	s1 =	srdreg.scid  }
0x8b: {  	s0 =	sand.u32 $0x1, s1  }
0x8c: {  	s17 =	sshll.u32 s0, $0xA;
	s2 =	sadd.s32 s3, s2  }
0x8d: {  	s2 =	sadd.s32 s2, s17  }
0x8e: {  	[smem:$0x3FBF] =	sst s2  }
0x8f: {  	_ = 	snop  }
0x90: {  	s2 =	sld [smem:$0x3FD0];
	(tm) =	ssettm $0x1  }
0x91: {  	s18 =	sld [smem:$0x3FFB];
	_ =	sdelay $0x3  }
0x92: {  	_ =	strace s18  }
0x93: {  	s3 =	sld [smem:$0x3FFC];
	_ =	sdelay $0x3  }
0x94: {  	_ =	strace s3  }
0x95: {  	s3 =	sld [smem:$0x3FFD];
	_ =	sdelay $0x3  }
0x96: {  	_ =	strace s3  }
0x97: {  	_ =	strace $0x8FFFFFFF  }
0x98: {  	s19 =	sld [smem:$0x3FDB];
	_ =	sdelay $0x1  }
0x99: {  	s4 =	simm.s32 $_scs_section_size  }
0x9a: {  	s5 =	simm.s32 $_size__tile_overlayer_lowered;
	s6 =	simm.s32 $_tile_overlayer_lowered  }
0x9b: {  	s22 =	simm.s32 $0x1BFF;
	s21 =	sshll.u32 s6, $0x1;
	s3 =	sadd.s32 s4, s19  }
0x9c: {  	s7 =	simm.s32 $0x0;
	s20 =	sshll.u32 s5, $0x1;
	s5 =	sadd.s32 s21, s3  }
0x9d: {  	[timem:s7], [sflag:s22] =	dma.local [hbm:s5], s20  }
0x9e: {  	_ =	swait.ge [sflag:s22], s20  }
0x9f: {  	s4 =	ssub.s32 $0x0, s20;
	[sflag:s22] =	ssyncset.done $0x0  }
0xa0: {  	[sflag:s22] =	ssyncadd.s32 s4;
	_ =	sdelay $0x1  }
0xa1: {  	s23 =	simm.s32 $0x1B8B  }
0xa2: {  	_ =	swait.ge [sflag:s23], $0x1  }
0xa3: {  	[sflag:s23] =	ssyncset.done $0x0  }
0xa4: {  	s25 =	simm.s32 $0x1B8E;
	s24 =	sld [smem:$0x3FFE];
	[sflag:s23] =	ssyncadd.s32 $0xFFFFFFFF  }
0xa5: {  	s26 =	simm.s32 $execute0_lowered;
	[smem:$0x3FD2] =	sst s25  }
0xa6: {  	s5 =	sshll.u32 s26, $0x1;
	_ =	strace $0x80000049;
	[dreg:$0x1] =	wrdreg $0xFFFFFFFF  }
0xa7: {  	s28 =	simm.s32 $_size_execute0_lowered;
	s3 =	sadd.s32 s3, s5;
	[dreg:$0x0] =	wrdreg $0x0  }
0xa8: {  	s5 =	sshll.u32 s28, $0x1;
	[dreg:$0x2] =	wrdreg s3  }
0xa9: {  	[dreg:$0x3] =	wrdreg s5  }
0xaa: {  	[dreg:$0x4] =	wrdreg $0xC0  }
0xab: {  	_ =	task [dreg:s7], $0x5FFFF  }
0xac: {  	[dreg:$0x1] =	wrdreg $0xFFFFFFFF  }
0xad: {  	[dreg:$0x0] =	wrdreg $0x60  }
0xae: {  	[dreg:$0x2] =	wrdreg s2  }
0xaf: {  	[dreg:$0x3] =	wrdreg s24  }
0xb0: {  	[dreg:$0x4] =	wrdreg $0xC0000  }
0xb1: {  	[dreg:$0x5] =	wrdreg $0x9  }
0xb2: {  	_ =	task.clear_ibuf [dreg:s7], $0x6FFFF;
	_ =	strace $0x90000049  }
0xb3: {  	s29 =	simm.s32 $0x9;
	_ =	strace $0x8000004B  }
0xb4: {  	_ =	swait.ge [sflag:s29], $0x1  }
0xb5: {  	[sflag:s29] =	ssyncadd.s32 $0xFFFFFFFF  }
0xb6: {  	_ =	strace $0x9000004B  }
0xb7: {  	_ =	sfence  }
0xb8: {  	s30 =	sld [smem:$0x0];
	_ =	sdelay $0x2  }
0xb9: {  	s31 =	sshll.u32 s1, $0xD;
	s1 =	sshrl.u32 s1, $0x2  }
0xba: {  	s3 =	sand.u32 $0x4000, s31;
	s1 =	sadd.s32 s1, s30  }
0xbb: {  	s0 =	sor.u32 s3, s0;
	s1 =	sshll.u32 s1, $0x11  }
0xbc: {  	s0 =	sor.u32 s1, s0  }
0xbd: {  	s0 =	sadd.s32 $0x8F2B, s0  }
0xbe: {  	[sflag:s0] =	ssyncadd.remote.s32 $0x1  }
0xbf: {  	_ =	sfence.sel $0xFFFF  }
0xc0: {  	[dreg:$0x0] =	wrdreg $0xFFFFFFFF;
	(pc) =	sbr.abs _section_cstart, $3  }
0xc1: {  	[dreg:$0x1] =	wrdreg $0xFFFFFFFF  }
0xc2: {  	_ =	task.clear_ibuf [dreg:s7], $0x2FFFF;
	_ =	strace $0x9FFFFFFF  }
0xc3: {  	(tm) =	ssettm $0x7FFFFFFF  }
tec
execute0_lowered:
.L_overlay_start_1:
0x0: {  	(tag) =	ssettag $0x1  }
0x1: {  	s1 =	rddreg [dreg:$0x0]  }
0x2: {  	s6 =	rddreg [dreg:$0x1]  }
0x3: {  	s3 =	rddreg [dreg:$0x2];
	s4 =	simm.s32 $0x0  }
0x4: {  	s2 =	stileid.u32;
	s7 =	srdreg.scid;
	s13 =	simm.s32 $0x5000  }
0x5: {  	s17 =	simm.s32 $0x80;
	s18 =	simm.s32 $0xA000;
	s19 =	simm.s32 $0xA800  }
0x6: {  	s20 =	simm.s32 $0xB000;
	s21 =	simm.s32 $0xB800;
	s22 =	simm.s32 $0x1  }
0x7: {  	s23 =	simm.s32 $0x2;
	s24 =	simm.s32 $0x0;
	s5 =	smul.u32 $0xA00, s2  }
0x8: {  	[smem:$0x7FF] =	sst s4;
	s10 =	sand.u32 $0x1, s7;
	s8 =	smul.u32 $0x4E200, s2  }
0x9: {  	s14 =	sshll.u32 s2, $0x6;
	_ =	strace $0x8000004A;
	s7 =	ssub.s32 $0x2, s10  }
0xa: {  	s10 =	sshll.u32 s10, $0x2;
	s14 =	sor.u32 $0x1C03, s14;
	s9 =	sadd.s32 s5, s6  }
0xb: {  	s5 =	sadd.s32 $0x1F800, s6;
	s6 =	sadd.s32 $0x20C00, s6;
	s11 =	sshrl.u32 s7, $0x1  }
0xc: {  	s12 =	sshrl.u32 s8, $0x2;
	s11 =	ssub.s32 s7, s11;
	s7 =	smul.u32 $0x13880, s2  }
0xd: {  	s8 =	sadd.s32 $0x1A7600, s9;
	s9 =	sadd.s32 $0x1B1600, s9;
	s12 =	sadd.s32 s12, s3  }
0xe: {  	s16 =	sadd.s32 $0x9C40, s12;
	s11 =	smax.u32 s11, $0x1;
	s15 =	sadd.s32 s7, s3  }
0xf: {  	s12 =	simm.s32 $0x3;
	s16 =	sshrl.u32 s16, $0x3;
	s15 =	sshrl.u32 s15, $0x3  }
.LBB2_1:
0x10: {  	[tilespmem:s4], [sflag:$0x3] =	stream.linear.gather [hbm4b:s8+s4], $0x5000, $0x38;
	[tilespmem:$0x1F880] =	vst v63  }
0x11: {  	_ =	swait.ge [sflag:s12], $0x5000  }
0x12: {  	[sflag:s12] =	ssyncset.done $0x0  }
0x13: {  	[sflag:s12] =	ssyncadd.s32 $0xFFFFB000  }
0x14: {  	[tilespmem:s13], [sflag:$0x3] =	stream.linear.gather [hbm4b:s9+s4], $0x5000, $0x38;
	[tilespmem:$0x1F880] =	vst v63  }
0x15: {  	_ =	swait.ge [sflag:s12], $0x5000  }
0x16: {  	[sflag:s12] =	ssyncset.done $0x0  }
0x17: {  	s25 =	simm.s32 $0x0;
	[sflag:s12] =	ssyncadd.s32 $0xFFFFB000  }
.LBB2_2:
0x18: {  	[bflag:$0x0] =	sbarrier.arrive $0xFFFF  }
0x19: {  	[spmem:s15], [sflag:s14] =	dma.local [hbm:s5], $0x1388  }
0x1a: {  	_ =	swait.ge [sflag:s12], $0x1388  }
0x1b: {  	[sflag:s12] =	ssyncset.done $0x0  }
0x1c: {  	[sflag:s12] =	ssyncadd.s32 $0xFFFFEC78  }
0x1d: {  	[spmem:s16], [sflag:s14] =	dma.local [hbm:s5], $0x1388  }
0x1e: {  	_ =	swait.ge [sflag:s12], $0x1388  }
0x1f: {  	[sflag:s12] =	ssyncset.done $0x0  }
0x20: {  	s26 =	sadd.s32 s10, s25;
	[sflag:s12] =	ssyncadd.s32 $0xFFFFEC78  }
0x21: {  	s28 =	smul.u32 $0x4E20, s26;
	[bflag:$0x0] =	sbarrier.arrive $0xFFFF  }
0x22: {  	(ifvalue) =	ssetifvalue $0xFFFFFFFF  }
0x23: {  	s29 =	simm.s32 $0x0;
	s28 =	sadd.s32 s1, s28;
	(ifvalue) =	ssetifvalue $0xFFFFFFFF  }
0x24: {  	[tilespmem:s18], [sflag:$0x1] =	stream.indirect.gather [hbm4b:s28+s17], $0x10, s29, s17, $0x40b8;
	[tilespmem:$0x1F880] =	vst v63  }
0x25: {  	(ifvalue) =	ssetifvalue $0xFFFFFFFF  }
0x26: {  	s29 =	simm.s32 $0x80;
	(ifvalue) =	ssetifvalue $0xFFFFFFFF  }
0x27: {  	[tilespmem:s19], [sflag:$0x1] =	stream.indirect.gather [hbm4b:s28+s17], $0x10, s29, s17, $0x40b8;
	[tilespmem:$0x1F880] =	vst v63  }
0x28: {  	(ifvalue) =	ssetifvalue $0xFFFFFFFF  }
0x29: {  	s29 =	simm.s32 $0x100;
	(ifvalue) =	ssetifvalue $0xFFFFFFFF  }
0x2a: {  	[tilespmem:s20], [sflag:$0x1] =	stream.indirect.gather [hbm4b:s28+s17], $0x10, s29, s17, $0x40b8;
	[tilespmem:$0x1F880] =	vst v63  }
0x2b: {  	(ifvalue) =	ssetifvalue $0xFFFFFFFF  }
0x2c: {  	s29 =	simm.s32 $0x180;
	(ifvalue) =	ssetifvalue $0xFFFFFFFF  }
0x2d: {  	[tilespmem:s21], [sflag:$0x1] =	stream.indirect.gather [hbm4b:s28+s17], $0x10, s29, s17, $0x40b8;
	[tilespmem:$0x1F880] =	vst v63  }
0x2e: {  	_ =	swait.ge [sflag:s22], $0x800  }
0x2f: {  	[sflag:s22] =	ssyncset.done $0x0  }
0x30: {  	s29 =	simm.s32 $0x5000;
	[sflag:s22] =	ssyncadd.s32 $0xFFFFF800;
	(ifvalue) =	ssetifvalue $0xFFFFFFFF  }
0x31: {  	[spmem:s3] =	stream.indirect.scatter.add.f32 [tilespmem:s18], [sflag:$0x2], $0x10, s29, s17, $0x40b8;
	[tilespmem:$0x1F880] =	vst v63  }
0x32: {  	_ =	swait.ge [sflag:s22], $0x800  }
0x33: {  	[sflag:s22] =	ssyncset.done $0x0  }
0x34: {  	s29 =	simm.s32 $0x5080;
	[sflag:s22] =	ssyncadd.s32 $0xFFFFF800;
	(ifvalue) =	ssetifvalue $0xFFFFFFFF  }
0x35: {  	[spmem:s3] =	stream.indirect.scatter.add.f32 [tilespmem:s19], [sflag:$0x2], $0x10, s29, s17, $0x40b8;
	[tilespmem:$0x1F880] =	vst v63  }
0x36: {  	_ =	swait.ge [sflag:s22], $0x800  }
0x37: {  	[sflag:s22] =	ssyncset.done $0x0  }
0x38: {  	s29 =	simm.s32 $0x5100;
	[sflag:s22] =	ssyncadd.s32 $0xFFFFF800;
	(ifvalue) =	ssetifvalue $0xFFFFFFFF  }
0x39: {  	[spmem:s3] =	stream.indirect.scatter.add.f32 [tilespmem:s20], [sflag:$0x2], $0x10, s29, s17, $0x40b8;
	[tilespmem:$0x1F880] =	vst v63  }
0x3a: {  	_ =	swait.ge [sflag:s22], $0x800  }
0x3b: {  	[sflag:s22] =	ssyncset.done $0x0  }
0x3c: {  	s29 =	simm.s32 $0x5180;
	[sflag:s22] =	ssyncadd.s32 $0xFFFFF800;
	(ifvalue) =	ssetifvalue $0xFFFFFFFF  }
0x3d: {  	[spmem:s3] =	stream.indirect.scatter.add.f32 [tilespmem:s21], [sflag:$0x2], $0x10, s29, s17, $0x40b8;
	[tilespmem:$0x1F880] =	vst v63  }
0x3e: {  	_ =	swait.ge [sflag:s23], $0x800  }
0x3f: {  	[sflag:s23] =	ssyncset.done $0x0  }
0x40: {  	[sflag:s23] =	ssyncadd.s32 $0xFFFFF800  }
0x41: {  	_ =	swait.ge [sflag:s23], $0x800  }
0x42: {  	[sflag:s23] =	ssyncset.done $0x0  }
0x43: {  	[sflag:s23] =	ssyncadd.s32 $0xFFFFF800  }
0x44: {  	_ =	swait.ge [sflag:s23], $0x800  }
0x45: {  	[sflag:s23] =	ssyncset.done $0x0  }
0x46: {  	[sflag:s23] =	ssyncadd.s32 $0xFFFFF800  }
0x47: {  	s30 =	simm.s32 $0x1000;
	_ =	swait.ge [sflag:s23], $0x800  }
0x48: {  	s29 =	simm.s32 $0x200;
	(ifvalue) =	ssetifvalue $0xFFFFFFFF;
	[sflag:s23] =	ssyncset.done $0x0  }
.LBB2_3:
0x49: {  	s31 =	sshra.s32 s30, $0x2;
	(ifvalue) =	ssetifvalue $0xFFFFFFFF;
	[sflag:s23] =	ssyncadd.s32 $0xFFFFF800  }
0x4a: {  	[tilespmem:s18], [sflag:$0x1] =	stream.indirect.gather [hbm4b:s28+s17], $0x10, s29, s17, $0x40b8;
	[tilespmem:$0x1F880] =	vst v63  }
0x4b: {  	p0 =	sne.s32 s30, $0x13800;
	s30 =	sadd.s32 $0x800, s30;
	(ifvalue) =	ssetifvalue $0xFFFFFFFF  }
0x4c: {  	s0 =	sadd.s32 $0x80, s29;
	(ifvalue) =	ssetifvalue $0xFFFFFFFF  }
0x4d: {  	[tilespmem:s19], [sflag:$0x1] =	stream.indirect.gather [hbm4b:s28+s17], $0x10, s0, s17, $0x40b8;
	[tilespmem:$0x1F880] =	vst v63  }
0x4e: {  	(ifvalue) =	ssetifvalue $0xFFFFFFFF  }
0x4f: {  	s0 =	sadd.s32 $0x100, s29;
	(ifvalue) =	ssetifvalue $0xFFFFFFFF  }
0x50: {  	[tilespmem:s20], [sflag:$0x1] =	stream.indirect.gather [hbm4b:s28+s17], $0x10, s0, s17, $0x40b8;
	[tilespmem:$0x1F880] =	vst v63  }
0x51: {  	(ifvalue) =	ssetifvalue $0xFFFFFFFF  }
0x52: {  	s0 =	sadd.s32 $0x180, s29;
	(ifvalue) =	ssetifvalue $0xFFFFFFFF  }
0x53: {  	[tilespmem:s21], [sflag:$0x1] =	stream.indirect.gather [hbm4b:s28+s17], $0x10, s0, s17, $0x40b8;
	[tilespmem:$0x1F880] =	vst v63  }
0x54: {  	_ =	swait.ge [sflag:s22], $0x800  }
0x55: {  	[sflag:s22] =	ssyncset.done $0x0  }
0x56: {  	[sflag:s22] =	ssyncadd.s32 $0xFFFFF800  }
0x57: {  	s0 =	sadd.s32 $0x5000, s29;
	(ifvalue) =	ssetifvalue $0xFFFFFFFF  }
0x58: {  	[spmem:s3] =	stream.indirect.scatter.add.f32 [tilespmem:s18], [sflag:$0x2], $0x10, s0, s17, $0x40b8;
	[tilespmem:$0x1F880] =	vst v63  }
0x59: {  	_ =	swait.ge [sflag:s22], $0x800  }
0x5a: {  	[sflag:s22] =	ssyncset.done $0x0  }
0x5b: {  	[sflag:s22] =	ssyncadd.s32 $0xFFFFF800  }
0x5c: {  	s0 =	sadd.s32 $0x5080, s29;
	(ifvalue) =	ssetifvalue $0xFFFFFFFF  }
0x5d: {  	[spmem:s3] =	stream.indirect.scatter.add.f32 [tilespmem:s19], [sflag:$0x2], $0x10, s0, s17, $0x40b8;
	[tilespmem:$0x1F880] =	vst v63  }
0x5e: {  	_ =	swait.ge [sflag:s22], $0x800  }
0x5f: {  	[sflag:s22] =	ssyncset.done $0x0  }
0x60: {  	[sflag:s22] =	ssyncadd.s32 $0xFFFFF800  }
0x61: {  	s0 =	sadd.s32 $0x5100, s29;
	(ifvalue) =	ssetifvalue $0xFFFFFFFF  }
0x62: {  	[spmem:s3] =	stream.indirect.scatter.add.f32 [tilespmem:s20], [sflag:$0x2], $0x10, s0, s17, $0x40b8;
	[tilespmem:$0x1F880] =	vst v63  }
0x63: {  	_ =	swait.ge [sflag:s22], $0x800  }
0x64: {  	[sflag:s22] =	ssyncset.done $0x0  }
0x65: {  	[sflag:s22] =	ssyncadd.s32 $0xFFFFF800  }
0x66: {  	s0 =	sadd.s32 $0x5180, s29;
	s29 =	smov.u32 s31;
	(ifvalue) =	ssetifvalue $0xFFFFFFFF  }
0x67: {  	[spmem:s3] =	stream.indirect.scatter.add.f32 [tilespmem:s21], [sflag:$0x2], $0x10, s0, s17, $0x40b8;
	[tilespmem:$0x1F880] =	vst v63  }
0x68: {  	_ =	swait.ge [sflag:s23], $0x800  }
0x69: {  	[sflag:s23] =	ssyncset.done $0x0  }
0x6a: {  	[sflag:s23] =	ssyncadd.s32 $0xFFFFF800  }
0x6b: {  	_ =	swait.ge [sflag:s23], $0x800  }
0x6c: {  	[sflag:s23] =	ssyncset.done $0x0  }
0x6d: {  	[sflag:s23] =	ssyncadd.s32 $0xFFFFF800  }
.Ltmp0:
0x6e: {  	_ =	swait.ge [sflag:s23], $0x800;
	(pc) =	sbr.rel @p0 .LBB2_3-.Ltmp0, $4  }
0x6f: {  	[sflag:s23] =	ssyncset.done $0x0  }
0x70: {  	[sflag:s23] =	ssyncadd.s32 $0xFFFFF800  }
0x71: {  	_ =	swait.ge [sflag:s23], $0x800  }
0x72: {  	(ifvalue) =	ssetifvalue $0xFFFFFFFF;
	[sflag:s23] =	ssyncset.done $0x0  }
0x73: {  	(ifvalue) =	ssetifvalue $0xFFFFFFFF;
	[sflag:s23] =	ssyncadd.s32 $0xFFFFF800  }
0x74: {  	[tilespmem:s18], [sflag:$0x1] =	stream.indirect.gather [hbm4b:s28+s17], $0x10, s29, s17, $0x40b8;
	[tilespmem:$0x1F880] =	vst v63  }
0x75: {  	(ifvalue) =	ssetifvalue $0xFFFFFFFF  }
0x76: {  	s0 =	sadd.s32 $0x80, s29;
	(ifvalue) =	ssetifvalue $0xFFFFFFFF  }
0x77: {  	[tilespmem:s19], [sflag:$0x1] =	stream.indirect.gather [hbm4b:s28+s17], $0x10, s0, s17, $0x40b8;
	[tilespmem:$0x1F880] =	vst v63  }
0x78: {  	(ifvalue) =	ssetifvalue $0xFFFFFFFF  }
0x79: {  	s30 =	sadd.s32 $0x100, s29;
	(ifvalue) =	ssetifvalue $0xFFFFFFFF  }
0x7a: {  	[tilespmem:s20], [sflag:$0x1] =	stream.indirect.gather [hbm4b:s28+s17], $0x10, s30, s17, $0x40b8;
	[tilespmem:$0x1F880] =	vst v63  }
0x7b: {  	(ifvalue) =	ssetifvalue $0xFFFFFFFF  }
0x7c: {  	s31 =	sadd.s32 $0x180, s29;
	(ifvalue) =	ssetifvalue $0xFFFFFFFF  }
0x7d: {  	[tilespmem:s21], [sflag:$0x1] =	stream.indirect.gather [hbm4b:s28+s17], $0x10, s31, s17, $0x40b8;
	[tilespmem:$0x1F880] =	vst v63  }
0x7e: {  	_ =	swait.ge [sflag:s22], $0x800  }
0x7f: {  	[sflag:s22] =	ssyncset.done $0x0  }
0x80: {  	s30 =	sadd.s32 $0x5000, s29;
	[sflag:s22] =	ssyncadd.s32 $0xFFFFF800;
	(ifvalue) =	ssetifvalue $0xFFFFFFFF  }
0x81: {  	[spmem:s3] =	stream.indirect.scatter.add.f32 [tilespmem:s18], [sflag:$0x2], $0x10, s30, s17, $0x40b8;
	[tilespmem:$0x1F880] =	vst v63  }
0x82: {  	_ =	swait.ge [sflag:s22], $0x800  }
0x83: {  	[sflag:s22] =	ssyncset.done $0x0  }
0x84: {  	s31 =	sadd.s32 $0x5080, s29;
	[sflag:s22] =	ssyncadd.s32 $0xFFFFF800;
	(ifvalue) =	ssetifvalue $0xFFFFFFFF  }
0x85: {  	[spmem:s3] =	stream.indirect.scatter.add.f32 [tilespmem:s19], [sflag:$0x2], $0x10, s31, s17, $0x40b8;
	[tilespmem:$0x1F880] =	vst v63  }
0x86: {  	_ =	swait.ge [sflag:s22], $0x800  }
0x87: {  	[sflag:s22] =	ssyncset.done $0x0  }
0x88: {  	s28 =	sadd.s32 $0x5100, s29;
	[sflag:s22] =	ssyncadd.s32 $0xFFFFF800;
	(ifvalue) =	ssetifvalue $0xFFFFFFFF  }
0x89: {  	[spmem:s3] =	stream.indirect.scatter.add.f32 [tilespmem:s20], [sflag:$0x2], $0x10, s28, s17, $0x40b8;
	[tilespmem:$0x1F880] =	vst v63  }
0x8a: {  	_ =	swait.ge [sflag:s22], $0x800  }
0x8b: {  	[sflag:s22] =	ssyncset.done $0x0  }
0x8c: {  	s30 =	sadd.s32 $0x5180, s29;
	[sflag:s22] =	ssyncadd.s32 $0xFFFFF800;
	(ifvalue) =	ssetifvalue $0xFFFFFFFF  }
0x8d: {  	[spmem:s3] =	stream.indirect.scatter.add.f32 [tilespmem:s21], [sflag:$0x2], $0x10, s30, s17, $0x40b8;
	[tilespmem:$0x1F880] =	vst v63  }
0x8e: {  	_ =	swait.ge [sflag:s23], $0x800  }
0x8f: {  	[sflag:s23] =	ssyncset.done $0x0  }
0x90: {  	[sflag:s23] =	ssyncadd.s32 $0xFFFFF800  }
0x91: {  	_ =	swait.ge [sflag:s23], $0x800  }
0x92: {  	[sflag:s23] =	ssyncset.done $0x0  }
0x93: {  	[sflag:s23] =	ssyncadd.s32 $0xFFFFF800  }
0x94: {  	_ =	swait.ge [sflag:s23], $0x800  }
0x95: {  	[sflag:s23] =	ssyncset.done $0x0  }
0x96: {  	s31 =	smul.u32 $0x138800, s26;
	[sflag:s23] =	ssyncadd.s32 $0xFFFFF800  }
0x97: {  	_ =	swait.ge [sflag:s23], $0x800  }
0x98: {  	s25 =	sadd.s32 $0x1, s25;
	s0 =	sadd.s32 s7, s31;
	[sflag:s23] =	ssyncset.done $0x0  }
0x99: {  	p0 =	sne.s32 s25, $0x4;
	s0 =	sshrl.u32 s0, $0x3;
	[sflag:s23] =	ssyncadd.s32 $0xFFFFF800  }
.Ltmp1:
0x9a: {  	s0 =	sadd.s32 s6, s0;
	[bflag:$0x0] =	sbarrier.arrive $0xFFFF;
	(pc) =	sbr.rel @p0 .LBB2_2-.Ltmp1, $4  }
0x9b: {  	[hbm:s0], [sflag:s14] =	dma.local [spmem:s15], $0x2710  }
0x9c: {  	_ =	swait.ge [sflag:s12], $0x2710  }
0x9d: {  	[sflag:s12] =	ssyncset.done $0x0  }
0x9e: {  	[sflag:s12] =	ssyncadd.s32 $0xFFFFD8F0  }
0x9f: {  	s24 =	sadd.s32 $0x1, s24  }
0xa0: {  	p0 =	sne.s32 s24, s11  }
.Ltmp2:
0xa1: {  	_ = 	snop;
	(pc) =	sbr.rel @p0 .LBB2_1-.Ltmp2, $1  }
0xa2: {  	_ =	sdelay $0x3  }
0xa3: {  	_ =	sfence.sel $0x180000  }
0xa4: {  	[bflag:$0x0] =	sbarrier.arrive $0xFFFF  }
0xa5: {  	_ =	strace $0x9000004A  }
0xa6: {  	[bflag:$0x2] =	sbarrier.arrive $0xFFFF  }
0xa7: {  	p0 =	sne.s32 s2, $0x0;
	s0 =	rddreg [dreg:$0x3]  }
0xa8: {  	s0 =	sadd.s32 @!p0 $0x100000, s0  }
0xa9: {  	[sflag:s0] =	ssyncadd.tile.s32 @!p0 $0x1;
	_ =	shalt  }
.Lfunc_end2:
_tile_overlayer_lowered:
.L_overlay_start_2:
0xaa: {  	(tag) =	ssettag $0x2  }
0xab: {  	s0 =	rddreg [dreg:$0x0];
	s2 =	stileid.u32  }
0xac: {  	s1 =	rddreg [dreg:$0x1];
	p0 =	sne.s32 s2, $0x0  }
0xad: {  	s3 =	rddreg [dreg:$0x2];
	[bflag:$0x3] =	sbarrier.arrive $0xFFFF;
	s2 =	simm.s32 @!p0 $0x1C03  }
0xae: {  	[timem:s3], [sflag:s2] =	dma.local @!p0 [hbm:s0], s1  }
0xaf: {  	s0 =	simm.s32 @!p0 $0x3  }
0xb0: {  	_ =	swait.ge @!p0 [sflag:s0], s1  }
0xb1: {  	s1 =	ssub.s32 @!p0 $0x0, s1;
	[sflag:s0] =	ssyncset.done @!p0 $0x0  }
0xb2: {  	[sflag:s0] =	ssyncadd.s32 @!p0 s1  }
0xb3: {  	[bflag:$0x3] =	sbarrier.arrive $0xFFFF  }
0xb4: {  	_ =	shalt  }

</sc_bundles>
